<compile_context>
chip_gen: v7x
topology: tpu7x:2x2x1
jax: 0.10.2.dev20260603
libtpu: 0.0.44.dev20260713+nightly
codegen_flags: <defaults>
</compile_context>

<pallas_src>
import functools

import jax
import jax.numpy as jnp
from jax import lax
from jax.experimental import pallas as pl
from jax.experimental.pallas import tpu as pltpu
from jax.experimental.pallas import tpu_sc as plsc

N = 10000
E = 160000
D = 256
H = 256
H2 = 128
H4 = 64
C = 8
EPS = 1e-5

NC = 2
NS = 16
NP = 10240
RPS = NP // NS
NPD = NP
RPSD = RPS

AGG_CHUNK = 80
AGG_CHUNKS = 125
AGG_PAD = AGG_CHUNKS * AGG_CHUNK - E // NS

ES_CHUNK = 80
ES_CHUNKS = 64
ES_PAD = ES_CHUNKS * ES_CHUNK - E // (NC * NS)


def _overlapped_stream(nchunks, wait_gather, fire_gather, scatter):
    @pl.loop(0, nchunks + 2)
    def _(t):
        @pl.when(t >= 1)
        def _():
            wait_gather()

        fire_gather(jnp.minimum(t, nchunks), t % 2)
        scatter(jnp.maximum(t - 1, 0), (t + 1) % 2)

    wait_gather()


CP = 128


def _copy_rows(src_ref, dst_ref, base):
    @pl.loop(0, RPS // CP)
    def _(i):
        off = base + i * CP
        pltpu.sync_copy(src_ref.at[pl.ds(off, CP)], dst_ref.at[pl.ds(off, CP)])

_mesh = lambda: plsc.VectorSubcoreMesh(core_axis_name="c", subcore_axis_name="s")



@functools.partial(
    pl.kernel,
    mesh=_mesh(),
    out_type=[
        jax.ShapeDtypeStruct((NPD,), jnp.float32),
        jax.ShapeDtypeStruct((NPD,), jnp.float32),
    ],
    scratch_types=[
        pltpu.VMEM_SHARED((NPD,), jnp.float32),
        pltpu.VMEM((ES_CHUNKS + 1, ES_CHUNK), jnp.int32),
        pltpu.VMEM((ES_CHUNK,), jnp.float32),
    ],
)
def _deg_kernel(dst_hbm, ones_hbm, zeros_hbm, out0, out1, acc, idxs, ones_v):
    c = lax.axis_index("c")
    s = lax.axis_index("s")
    pltpu.sync_copy(ones_hbm, ones_v)
    pltpu.sync_copy(dst_hbm.at[c, s], idxs)
    pltpu.sync_copy(zeros_hbm, acc.at[pl.ds(s * RPSD, RPSD)])
    plsc.subcore_barrier()

    @pl.loop(0, ES_CHUNKS + 1)
    def _(j):
        pltpu.sync_copy(ones_v, acc.at[idxs.at[j]], add=True)

    plsc.subcore_barrier()

    @pl.when(c == 0)
    def _():
        pltpu.sync_copy(acc.at[pl.ds(s * RPSD, RPSD)],
                        out0.at[pl.ds(s * RPSD, RPSD)])

    @pl.when(c == 1)
    def _():
        pltpu.sync_copy(acc.at[pl.ds(s * RPSD, RPSD)],
                        out1.at[pl.ds(s * RPSD, RPSD)])



HC1 = H // 2


@functools.partial(
    pl.kernel,
    mesh=_mesh(),
    out_type=[
        jax.ShapeDtypeStruct((NP, HC1), jnp.float32),
        jax.ShapeDtypeStruct((NP, HC1), jnp.float32),
    ],
    scratch_types=[
        pltpu.VMEM_SHARED((NP, HC1), jnp.float32),
        pltpu.VMEM((AGG_CHUNKS + 1, AGG_CHUNK), jnp.int32),
        pltpu.VMEM((AGG_CHUNKS + 1, AGG_CHUNK), jnp.int32),
        pltpu.VMEM((AGG_CHUNK, HC1), jnp.float32),
        pltpu.SemaphoreType.DMA,
    ],
)
def _agg_conv1(u0, u1, src_hbm, dst_hbm, out0, out1, acc, sidx, didx,
               ring, semg):
    c = lax.axis_index("c")
    s = lax.axis_index("s")
    pltpu.sync_copy(src_hbm.at[s], sidx)
    pltpu.sync_copy(dst_hbm.at[s], didx)

    def run(u, out):
        _copy_rows(u, acc, s * RPS)
        plsc.subcore_barrier()

        def slot(i):
            return ring

        def wait_gather():
            pass

        def fire_gather(j, sl):
            pltpu.async_copy(u.at[sidx.at[j]], slot(sl), semg).wait()

        def scatter(j, sl):
            pltpu.sync_copy(slot(sl), acc.at[didx.at[j]], add=True)

        _overlapped_stream(AGG_CHUNKS, wait_gather, fire_gather, scatter)

        plsc.subcore_barrier()
        _copy_rows(acc, out, s * RPS)

    @pl.when(c == 0)
    def _():
        run(u0, out0)

    @pl.when(c == 1)
    def _():
        run(u1, out1)



@functools.partial(
    pl.kernel,
    mesh=_mesh(),
    out_type=[
        jax.ShapeDtypeStruct((NP, H2), jnp.float32),
        jax.ShapeDtypeStruct((NP, H2), jnp.float32),
    ],
    scratch_types=[
        pltpu.VMEM_SHARED((NP, H2), jnp.float32),
        pltpu.VMEM((ES_CHUNKS + 1, ES_CHUNK), jnp.int32),
        pltpu.VMEM((ES_CHUNKS + 1, ES_CHUNK), jnp.int32),
        pltpu.VMEM((ES_CHUNK, H2), jnp.float32),
        pltpu.SemaphoreType.DMA,
    ],
)
def _agg_conv2(u, src_hbm, dst_hbm, zeros_hbm, out0, out1,
               acc, sidx, didx, ring, semg):
    c = lax.axis_index("c")
    s = lax.axis_index("s")
    pltpu.sync_copy(src_hbm.at[c, s], sidx)
    pltpu.sync_copy(dst_hbm.at[c, s], didx)

    @pl.when(c == 0)
    def _():
        _copy_rows(u, acc, s * RPS)

    @pl.when(c == 1)
    def _():
        @pl.loop(0, RPS // CP)
        def _(i):
            pltpu.sync_copy(zeros_hbm.at[pl.ds(i * CP, CP)],
                            acc.at[pl.ds(s * RPS + i * CP, CP)])

    plsc.subcore_barrier()

    def slot(i):
        return ring

    def wait_gather():
        pass

    def fire_gather(j, sl):
        pltpu.async_copy(u.at[sidx.at[j]], slot(sl), semg).wait()

    def scatter(j, sl):
        pltpu.sync_copy(slot(sl), acc.at[didx.at[j]], add=True)

    _overlapped_stream(ES_CHUNKS, wait_gather, fire_gather, scatter)

    plsc.subcore_barrier()

    @pl.when(c == 0)
    def _():
        _copy_rows(acc, out0, s * RPS)

    @pl.when(c == 1)
    def _():
        _copy_rows(acc, out1, s * RPS)



BN_ROWS = 2000


def _dinv_block(d0, d1):
    deg = d0 + d1 + 1.0
    return lax.rsqrt(deg)


def _tc1_body(x_ref, g_ref, b_ref, w_ref, d0_ref, d1_ref, u0_ref, u1_ref):
    x = x_ref[...]
    mu = jnp.mean(x, axis=1, keepdims=True)
    var = jnp.mean((x - mu) * (x - mu), axis=1, keepdims=True)
    xn = (x - mu) * lax.rsqrt(var + EPS) * g_ref[...] + b_ref[...]
    h = jnp.dot(xn, w_ref[...], preferred_element_type=jnp.float32)
    u = h * _dinv_block(d0_ref[...], d1_ref[...])
    u0_ref[...] = u[:, :HC1]
    u1_ref[...] = u[:, HC1:]


def _tc2_body(a0_ref, a1_ref, d0_ref, d1_ref, b1_ref, g_ref, b_ref, m_ref,
              v_ref, w_ref, u_ref):
    dinv = _dinv_block(d0_ref[...], d1_ref[...])
    t = jnp.concatenate([a0_ref[...], a1_ref[...]], axis=1) * dinv + b1_ref[...]
    t = (t - m_ref[...]) * lax.rsqrt(v_ref[...] + EPS) * g_ref[...] + b_ref[...]
    t = jnp.maximum(t, 0.0)
    h = jnp.dot(t, w_ref[...], preferred_element_type=jnp.float32)
    u_ref[...] = h * dinv


def _tc3_body(a0_ref, a1_ref, d0_ref, d1_ref, b2_ref, g_ref, b_ref, m_ref,
              v_ref, wc1_ref, bc1_ref, lg_ref, lb_ref, wc2_ref, bc2_ref, o_ref):
    dinv = _dinv_block(d0_ref[...], d1_ref[...])
    t = (a0_ref[...] + a1_ref[...]) * dinv + b2_ref[...]
    t = (t - m_ref[...]) * lax.rsqrt(v_ref[...] + EPS) * g_ref[...] + b_ref[...]
    t = jnp.maximum(t, 0.0)
    h = jnp.dot(t, wc1_ref[...], preferred_element_type=jnp.float32) + bc1_ref[...]
    mu = jnp.mean(h, axis=1, keepdims=True)
    var = jnp.mean((h - mu) * (h - mu), axis=1, keepdims=True)
    h = (h - mu) * lax.rsqrt(var + EPS) * lg_ref[...] + lb_ref[...]
    h = jnp.maximum(h, 0.0)
    o_ref[...] = jnp.dot(h, wc2_ref[...], preferred_element_type=jnp.float32) + bc2_ref[...]


def _row_spec(width):
    return pl.BlockSpec((BN_ROWS, width), lambda i: (i, 0))


def _full_spec(shape):
    return pl.BlockSpec(shape, lambda i: tuple(0 for _ in shape))



def kernel(x, edge_index, ln_g, ln_b, W1, b1, bn1_g, bn1_b, bn1_m, bn1_v,
           W2, b2, bn2_g, bn2_b, bn2_m, bn2_v, Wc1, bc1, lnc_g, lnc_b,
           Wc2, bc2):
    src = edge_index[0]
    dst = edge_index[1]

    def _pad_reshape(a, workers, pad, nchunks, chunk):
        a = a.reshape(workers, -1)
        fill = N + (jnp.arange(pad + chunk, dtype=a.dtype) % (NP - N))
        fill = jnp.broadcast_to(fill, (workers, pad + chunk))
        a = jnp.concatenate([fill[:, :chunk], a, fill[:, chunk:]], axis=1)
        return a.reshape(workers, nchunks + 1, chunk)

    src_agg = _pad_reshape(src, NS, AGG_PAD, AGG_CHUNKS, AGG_CHUNK)
    dst_agg = _pad_reshape(dst, NS, AGG_PAD, AGG_CHUNKS, AGG_CHUNK)
    src_es = _pad_reshape(src, NC * NS, ES_PAD, ES_CHUNKS, ES_CHUNK).reshape(
        NC, NS, ES_CHUNKS + 1, ES_CHUNK)
    dst_es = _pad_reshape(dst, NC * NS, ES_PAD, ES_CHUNKS, ES_CHUNK).reshape(
        NC, NS, ES_CHUNKS + 1, ES_CHUNK)
    ones_blk = jnp.ones((ES_CHUNK,), jnp.float32)
    zeros_1d = jnp.zeros((RPSD,), jnp.float32)
    zeros_2d = jnp.zeros((CP, H2), jnp.float32)

    deg0, deg1 = _deg_kernel(dst_es, ones_blk, zeros_1d)
    deg0 = deg0.reshape(NPD, 1)
    deg1 = deg1.reshape(NPD, 1)

    grid = (N // BN_ROWS,)
    r1 = lambda: _row_spec(1)

    u0, u1 = pl.pallas_call(
        _tc1_body,
        grid=grid,
        in_specs=[
            _row_spec(D),
            _full_spec((1, D)),
            _full_spec((1, D)),
            _full_spec((D, H)),
            r1(),
            r1(),
        ],
        out_specs=[_row_spec(HC1), _row_spec(HC1)],
        out_shape=[
            jax.ShapeDtypeStruct((NP, HC1), jnp.float32),
            jax.ShapeDtypeStruct((NP, HC1), jnp.float32),
        ],
    )(x, ln_g.reshape(1, D), ln_b.reshape(1, D), W1, deg0, deg1)

    s0, s1 = _agg_conv1(u0, u1, src_agg, dst_agg)

    u2, = pl.pallas_call(
        _tc2_body,
        grid=grid,
        in_specs=[
            _row_spec(HC1),
            _row_spec(HC1),
            r1(),
            r1(),
            _full_spec((1, H)),
            _full_spec((1, H)),
            _full_spec((1, H)),
            _full_spec((1, H)),
            _full_spec((1, H)),
            _full_spec((H, H2)),
        ],
        out_specs=[_row_spec(H2)],
        out_shape=[jax.ShapeDtypeStruct((NP, H2), jnp.float32)],
    )(s0, s1, deg0, deg1, b1.reshape(1, H), bn1_g.reshape(1, H),
      bn1_b.reshape(1, H), bn1_m.reshape(1, H), bn1_v.reshape(1, H), W2)

    s20, s21 = _agg_conv2(u2, src_es, dst_es, zeros_2d)

    out = pl.pallas_call(
        _tc3_body,
        grid=grid,
        in_specs=[
            _row_spec(H2),
            _row_spec(H2),
            r1(),
            r1(),
            _full_spec((1, H2)),
            _full_spec((1, H2)),
            _full_spec((1, H2)),
            _full_spec((1, H2)),
            _full_spec((1, H2)),
            _full_spec((H2, H4)),
            _full_spec((1, H4)),
            _full_spec((1, H4)),
            _full_spec((1, H4)),
            _full_spec((H4, C)),
            _full_spec((1, C)),
        ],
        out_specs=_row_spec(C),
        out_shape=jax.ShapeDtypeStruct((N, C), jnp.float32),
    )(s20, s21, deg0, deg1, b2.reshape(1, H2), bn2_g.reshape(1, H2),
      bn2_b.reshape(1, H2), bn2_m.reshape(1, H2), bn2_v.reshape(1, H2),
      Wc1, bc1.reshape(1, H4), lnc_g.reshape(1, H4), lnc_b.reshape(1, H4),
      Wc2, bc2.reshape(1, C))

    return out

# --- scband reference (transcript-rebuilt; emitter-appended) ---
"""Pipeline reference for scband-regularized-spatial-gnn-17188459119262 (READ-ONLY COPY).

The authoritative reference and input builder live on the scoring server;
editing this copy changes nothing except your own understanding.
"""

import jax, jax.numpy as jnp
import numpy as np

N = 10000
E = 160000
D = 256
H = 256  # hidden_dim
H2 = H // 2
H4 = H // 4
C = 8
EPS = 1e-5


def setup_inputs(seed: int = 0) -> dict:
    key = jax.random.key(seed)
    ks = jax.random.split(key, 24)
    s = 0.05
    inp = {}
    inp['x'] = jax.random.normal(ks[0], (N, D), jnp.float32)
    inp['edge_index'] = jax.random.randint(ks[1], (2, E), 0, N, dtype=jnp.int32)
    # input LayerNorm params
    inp['ln_g'] = jnp.ones((D,), jnp.float32)
    inp['ln_b'] = jnp.zeros((D,), jnp.float32)
    # GCNConv 1
    inp['W1'] = jax.random.normal(ks[2], (D, H), jnp.float32) * s
    inp['b1'] = jnp.zeros((H,), jnp.float32)
    # BatchNorm1d(H) eval-mode
    inp['bn1_g'] = jnp.ones((H,), jnp.float32)
    inp['bn1_b'] = jnp.zeros((H,), jnp.float32)
    inp['bn1_m'] = jnp.zeros((H,), jnp.float32)
    inp['bn1_v'] = jnp.ones((H,), jnp.float32)
    # GCNConv 2
    inp['W2'] = jax.random.normal(ks[3], (H, H2), jnp.float32) * s
    inp['b2'] = jnp.zeros((H2,), jnp.float32)
    # BatchNorm1d(H2)
    inp['bn2_g'] = jnp.ones((H2,), jnp.float32)
    inp['bn2_b'] = jnp.zeros((H2,), jnp.float32)
    inp['bn2_m'] = jnp.zeros((H2,), jnp.float32)
    inp['bn2_v'] = jnp.ones((H2,), jnp.float32)
    # classifier: Linear(H2,H4), LayerNorm(H4), Linear(H4,C)
    inp['Wc1'] = jax.random.normal(ks[4], (H2, H4), jnp.float32) * s
    inp['bc1'] = jnp.zeros((H4,), jnp.float32)
    inp['lnc_g'] = jnp.ones((H4,), jnp.float32)
    inp['lnc_b'] = jnp.zeros((H4,), jnp.float32)
    inp['Wc2'] = jax.random.normal(ks[5], (H4, C), jnp.float32) * s
    inp['bc2'] = jnp.zeros((C,), jnp.float32)
    return inp


def _layer_norm(x, g, b):
    mu = jnp.mean(x, axis=-1, keepdims=True)
    var = jnp.var(x, axis=-1, keepdims=True)
    return (x - mu) / jnp.sqrt(var + EPS) * g + b


def _batch_norm_eval(x, g, b, m, v):
    return (x - m) / jnp.sqrt(v + EPS) * g + b


def _gcn_conv(x, edge_index, W, b):
    n = x.shape[0]
    loop = jnp.arange(n, dtype=edge_index.dtype)
    src = jnp.concatenate([edge_index[0], loop])
    dst = jnp.concatenate([edge_index[1], loop])
    deg = jnp.zeros((n,), jnp.float32).at[dst].add(1.0)
    dinv = jnp.where(deg > 0, jax.lax.rsqrt(jnp.maximum(deg, 1e-12)), 0.0)
    norm = dinv[src] * dinv[dst]
    h = x @ W
    msg = jnp.take(h, src, axis=0) * norm[:, None]
    out = jnp.zeros((n, W.shape[1]), jnp.float32).at[dst].add(msg)
    return out + b


def reference(x, edge_index, ln_g, ln_b, W1, b1, bn1_g, bn1_b, bn1_m, bn1_v,
              W2, b2, bn2_g, bn2_b, bn2_m, bn2_v, Wc1, bc1, lnc_g, lnc_b, Wc2, bc2):
    # eval mode: all dropouts / dropout_adj are identity
    h = _layer_norm(x, ln_g, ln_b)
    h = _gcn_conv(h, edge_index, W1, b1)
    h = _batch_norm_eval(h, bn1_g, bn1_b, bn1_m, bn1_v)
    h = jax.nn.relu(h)
    h = _gcn_conv(h, edge_index, W2, b2)
    h = _batch_norm_eval(h, bn2_g, bn2_b, bn2_m, bn2_v)
    h = jax.nn.relu(h)
    # classifier
    h = h @ Wc1 + bc1
    h = _layer_norm(h, lnc_g, lnc_b)
    h = jax.nn.relu(h)
    out = h @ Wc2 + bc2
    return out

if __name__ == "__main__":
    import jax
    _d = setup_inputs()
    print(jax.jit(kernel)(*tuple(_d.values())))

</pallas_src>

<mosaic_0001>
#map = affine_map<(d0, d1) -> (0, 0, 0, 0)>
#map1 = affine_map<(d0, d1) -> (0)>
module attributes {stable_mosaic.version = 14 : i64} {
  func.func @_deg_kernel(%arg0: i32, %arg1: i32, %arg2: memref<2x16x65x80xi32, #tpu.memory_space<hbm>>, %arg3: memref<80xf32, #tpu.memory_space<hbm>>, %arg4: memref<640xf32, #tpu.memory_space<hbm>>, %arg5: memref<10240xf32, #tpu.memory_space<hbm>>, %arg6: memref<10240xf32, #tpu.memory_space<hbm>>, %arg7: memref<10240xf32, #tpu.memory_space<vmem_shared>>, %arg8: memref<65x80xi32, #tpu.memory_space<vmem>>, %arg9: memref<80xf32, #tpu.memory_space<vmem>>) attributes {dimension_semantics = [#tpu.dimension_semantics<core_parallel>, #tpu.dimension_semantics<subcore_parallel>], iteration_bounds = array<i64: 2, 16>, scalar_prefetch = 0 : i64, scratch_operands = 3 : i64, tpu.core_type = #tpu.core_type<sc_vector_subcore>, window_params = [{transform_indices = #map}, {transform_indices = #map1}, {transform_indices = #map1}, {transform_indices = #map1}, {transform_indices = #map1}]} {
    "tpu.region"() ({
      %run_scoped3A = tpu.sem_alloc : memref<!tpu.dma_semaphore, #tpu.memory_space<semaphore_mem>>
      tpu.enqueue_dma source(%arg3 : memref<80xf32, #tpu.memory_space<hbm>>) target(%arg9 : memref<80xf32, #tpu.memory_space<vmem>>) target_semaphore(%run_scoped3A : memref<!tpu.dma_semaphore, #tpu.memory_space<semaphore_mem>>)
      tpu.wait_dma2 semaphore(%run_scoped3A : memref<!tpu.dma_semaphore, #tpu.memory_space<semaphore_mem>>) src(%arg3 : memref<80xf32, #tpu.memory_space<hbm>>) dst(%arg9 : memref<80xf32, #tpu.memory_space<vmem>>)
      tpu.yield
    }) : () -> ()
    "tpu.region"() ({
      %run_scoped3A = tpu.sem_alloc : memref<!tpu.dma_semaphore, #tpu.memory_space<semaphore_mem>>
      %dma_start3A = arith.constant 0 : i32
      %dma_start3A_13 = arith.constant 0 : i32
      %dma_start3A_14 = tpu.memref_slice %arg2[%arg0, %arg1, %dma_start3A, %dma_start3A_13] : memref<2x16x65x80xi32, #tpu.memory_space<hbm>> -> memref<1x1x65x80xi32, #tpu.memory_space<hbm>>
      %dma_start3A_15 = tpu.memref_squeeze %dma_start3A_14 : memref<1x1x65x80xi32, #tpu.memory_space<hbm>> -> memref<65x80xi32, #tpu.memory_space<hbm>>
      %dma_start3A_16 = arith.constant 0 : i32
      %dma_start3A_17 = arith.constant 0 : i32
      %dma_start3A_18 = tpu.memref_slice %arg2[%arg0, %arg1, %dma_start3A_16, %dma_start3A_17] : memref<2x16x65x80xi32, #tpu.memory_space<hbm>> -> memref<1x1x65x80xi32, #tpu.memory_space<hbm>>
      %dma_start3A_19 = tpu.memref_squeeze %dma_start3A_18 : memref<1x1x65x80xi32, #tpu.memory_space<hbm>> -> memref<65x80xi32, #tpu.memory_space<hbm>>
      tpu.enqueue_dma source(%dma_start3A_19 : memref<65x80xi32, #tpu.memory_space<hbm>>) target(%arg8 : memref<65x80xi32, #tpu.memory_space<vmem>>) target_semaphore(%run_scoped3A : memref<!tpu.dma_semaphore, #tpu.memory_space<semaphore_mem>>)
      %dma_wait3A = arith.constant 0 : i32
      %dma_wait3A_20 = arith.constant 0 : i32
      %dma_wait3A_21 = tpu.memref_slice %arg2[%arg0, %arg1, %dma_wait3A, %dma_wait3A_20] : memref<2x16x65x80xi32, #tpu.memory_space<hbm>> -> memref<1x1x65x80xi32, #tpu.memory_space<hbm>>
      %dma_wait3A_22 = tpu.memref_squeeze %dma_wait3A_21 : memref<1x1x65x80xi32, #tpu.memory_space<hbm>> -> memref<65x80xi32, #tpu.memory_space<hbm>>
      %dma_wait3A_23 = arith.constant 0 : i32
      %dma_wait3A_24 = arith.constant 0 : i32
      %dma_wait3A_25 = tpu.memref_slice %arg2[%arg0, %arg1, %dma_wait3A_23, %dma_wait3A_24] : memref<2x16x65x80xi32, #tpu.memory_space<hbm>> -> memref<1x1x65x80xi32, #tpu.memory_space<hbm>>
      %dma_wait3A_26 = tpu.memref_squeeze %dma_wait3A_25 : memref<1x1x65x80xi32, #tpu.memory_space<hbm>> -> memref<65x80xi32, #tpu.memory_space<hbm>>
      tpu.wait_dma2 semaphore(%run_scoped3A : memref<!tpu.dma_semaphore, #tpu.memory_space<semaphore_mem>>) src(%dma_wait3A_26 : memref<65x80xi32, #tpu.memory_space<hbm>>) dst(%arg8 : memref<65x80xi32, #tpu.memory_space<vmem>>)
      tpu.yield
    }) : () -> ()
    %mul3A = arith.constant 640 : i32
    %mul3A_0 = arith.muli %arg1, %mul3A : i32
    "tpu.region"() ({
      %run_scoped3A = tpu.sem_alloc : memref<!tpu.dma_semaphore, #tpu.memory_space<semaphore_mem>>
      %dma_start3A = tpu.memref_slice %arg7[%mul3A_0] : memref<10240xf32, #tpu.memory_space<vmem_shared>> -> memref<640xf32, #tpu.memory_space<vmem_shared>>
      tpu.enqueue_dma source(%arg4 : memref<640xf32, #tpu.memory_space<hbm>>) target(%dma_start3A : memref<640xf32, #tpu.memory_space<vmem_shared>>) target_semaphore(%run_scoped3A : memref<!tpu.dma_semaphore, #tpu.memory_space<semaphore_mem>>)
      %dma_wait3A = tpu.memref_slice %arg7[%mul3A_0] : memref<10240xf32, #tpu.memory_space<vmem_shared>> -> memref<640xf32, #tpu.memory_space<vmem_shared>>
      tpu.wait_dma2 semaphore(%run_scoped3A : memref<!tpu.dma_semaphore, #tpu.memory_space<semaphore_mem>>) src(%arg4 : memref<640xf32, #tpu.memory_space<hbm>>) dst(%dma_wait3A : memref<640xf32, #tpu.memory_space<vmem_shared>>)
      tpu.yield
    }) : () -> ()
    %barrier3A = arith.constant 0 : index
    tpu.barrier barrier_id(%barrier3A)
    %scan3A = arith.constant 0 : i32
    %scan3A_1 = arith.constant 65 : i32
    %scan3A_2 = arith.addi %scan3A, %scan3A_1 : i32
    %scan3A_3 = arith.constant 1 : i32
    scf.for %scan3A_13 = %scan3A to %scan3A_2 step %scan3A_3  : i32 {
      %mul3A_14 = arith.constant 1 : i32
      %mul3A_15 = arith.muli %scan3A_13, %mul3A_14 : i32
      %add3A = arith.constant 0 : i32
      %add3A_16 = arith.addi %add3A, %mul3A_15 : i32
      "tpu.region"() ({
        %run_scoped3A = tpu.sem_alloc : memref<!tpu.dma_semaphore, #tpu.memory_space<semaphore_mem>>
        %dma_start3A = arith.constant 0 : i32
        %dma_start3A_17 = tpu.memref_slice %arg8[%add3A_16, %dma_start3A] : memref<65x80xi32, #tpu.memory_space<vmem>> -> memref<1x80xi32, #tpu.memory_space<vmem>>
        %dma_start3A_18 = tpu.memref_squeeze %dma_start3A_17 : memref<1x80xi32, #tpu.memory_space<vmem>> -> memref<80xi32, #tpu.memory_space<vmem>>
        %dma_start3A_19 = arith.constant 0 : i32
        %dma_start3A_20 = tpu.memref_slice %arg7[%dma_start3A_19] : memref<10240xf32, #tpu.memory_space<vmem_shared>> -> memref<10240xf32, #tpu.memory_space<vmem_shared>>
        tpu.enqueue_indirect_dma source(%arg9 : memref<80xf32, #tpu.memory_space<vmem>>) target(%dma_start3A_20 : memref<10240xf32, #tpu.memory_space<vmem_shared>>) offsets(%dma_start3A_18 : memref<80xi32, #tpu.memory_space<vmem>>) semaphore(%run_scoped3A : memref<!tpu.dma_semaphore, #tpu.memory_space<semaphore_mem>>) {add = true}
        %dma_wait3A = arith.constant 0 : i32
        %dma_wait3A_21 = tpu.memref_slice %arg8[%add3A_16, %dma_wait3A] : memref<65x80xi32, #tpu.memory_space<vmem>> -> memref<1x80xi32, #tpu.memory_space<vmem>>
        %dma_wait3A_22 = tpu.memref_squeeze %dma_wait3A_21 : memref<1x80xi32, #tpu.memory_space<vmem>> -> memref<80xi32, #tpu.memory_space<vmem>>
        %dma_wait3A_23 = arith.constant 0 : i32
        %dma_wait3A_24 = tpu.memref_slice %arg7[%dma_wait3A_23] : memref<10240xf32, #tpu.memory_space<vmem_shared>> -> memref<10240xf32, #tpu.memory_space<vmem_shared>>
        tpu.wait_indirect_dma semaphore(%run_scoped3A : memref<!tpu.dma_semaphore, #tpu.memory_space<semaphore_mem>>) src(%arg9 : memref<80xf32, #tpu.memory_space<vmem>>) dst(%dma_wait3A_24 : memref<10240xf32, #tpu.memory_space<vmem_shared>>)
        tpu.yield
      }) : () -> ()
    }
    %scan3A_4 = arith.constant 65 : i32
    %barrier3A_5 = arith.constant 0 : index
    tpu.barrier barrier_id(%barrier3A_5)
    %eq3A = arith.constant 0 : i32
    %eq3A_6 = arith.cmpi eq, %arg0, %eq3A : i32
    %convert_element_type3A = arith.extui %eq3A_6 : i1 to i32
    %cond3A = arith.constant 0 : i32
    %cond3A_7 = arith.cmpi ne, %convert_element_type3A, %cond3A : i32
    scf.if %cond3A_7 {
      %mul3A_13 = arith.constant 640 : i32
      %mul3A_14 = arith.muli %arg1, %mul3A_13 : i32
      %mul3A_15 = arith.constant 640 : i32
      %mul3A_16 = arith.muli %arg1, %mul3A_15 : i32
      "tpu.region"() ({
        %run_scoped3A = tpu.sem_alloc : memref<!tpu.dma_semaphore, #tpu.memory_space<semaphore_mem>>
        %dma_start3A = tpu.memref_slice %arg5[%mul3A_16] : memref<10240xf32, #tpu.memory_space<hbm>> -> memref<640xf32, #tpu.memory_space<hbm>>
        %dma_start3A_17 = tpu.memref_slice %arg7[%mul3A_14] : memref<10240xf32, #tpu.memory_space<vmem_shared>> -> memref<640xf32, #tpu.memory_space<vmem_shared>>
        tpu.enqueue_dma source(%dma_start3A_17 : memref<640xf32, #tpu.memory_space<vmem_shared>>) target(%dma_start3A : memref<640xf32, #tpu.memory_space<hbm>>) target_semaphore(%run_scoped3A : memref<!tpu.dma_semaphore, #tpu.memory_space<semaphore_mem>>)
        %dma_wait3A = tpu.memref_slice %arg5[%mul3A_16] : memref<10240xf32, #tpu.memory_space<hbm>> -> memref<640xf32, #tpu.memory_space<hbm>>
        %dma_wait3A_18 = tpu.memref_slice %arg7[%mul3A_14] : memref<10240xf32, #tpu.memory_space<vmem_shared>> -> memref<640xf32, #tpu.memory_space<vmem_shared>>
        tpu.wait_dma2 semaphore(%run_scoped3A : memref<!tpu.dma_semaphore, #tpu.memory_space<semaphore_mem>>) src(%dma_wait3A_18 : memref<640xf32, #tpu.memory_space<vmem_shared>>) dst(%dma_wait3A : memref<640xf32, #tpu.memory_space<hbm>>)
        tpu.yield
      }) : () -> ()
    } else {
    }
    %eq3A_8 = arith.constant 1 : i32
    %eq3A_9 = arith.cmpi eq, %arg0, %eq3A_8 : i32
    %convert_element_type3A_10 = arith.extui %eq3A_9 : i1 to i32
    %cond3A_11 = arith.constant 0 : i32
    %cond3A_12 = arith.cmpi ne, %convert_element_type3A_10, %cond3A_11 : i32
    scf.if %cond3A_12 {
      %mul3A_13 = arith.constant 640 : i32
      %mul3A_14 = arith.muli %arg1, %mul3A_13 : i32
      %mul3A_15 = arith.constant 640 : i32
      %mul3A_16 = arith.muli %arg1, %mul3A_15 : i32
      "tpu.region"() ({
        %run_scoped3A = tpu.sem_alloc : memref<!tpu.dma_semaphore, #tpu.memory_space<semaphore_mem>>
        %dma_start3A = tpu.memref_slice %arg6[%mul3A_16] : memref<10240xf32, #tpu.memory_space<hbm>> -> memref<640xf32, #tpu.memory_space<hbm>>
        %dma_start3A_17 = tpu.memref_slice %arg7[%mul3A_14] : memref<10240xf32, #tpu.memory_space<vmem_shared>> -> memref<640xf32, #tpu.memory_space<vmem_shared>>
        tpu.enqueue_dma source(%dma_start3A_17 : memref<640xf32, #tpu.memory_space<vmem_shared>>) target(%dma_start3A : memref<640xf32, #tpu.memory_space<hbm>>) target_semaphore(%run_scoped3A : memref<!tpu.dma_semaphore, #tpu.memory_space<semaphore_mem>>)
        %dma_wait3A = tpu.memref_slice %arg6[%mul3A_16] : memref<10240xf32, #tpu.memory_space<hbm>> -> memref<640xf32, #tpu.memory_space<hbm>>
        %dma_wait3A_18 = tpu.memref_slice %arg7[%mul3A_14] : memref<10240xf32, #tpu.memory_space<vmem_shared>> -> memref<640xf32, #tpu.memory_space<vmem_shared>>
        tpu.wait_dma2 semaphore(%run_scoped3A : memref<!tpu.dma_semaphore, #tpu.memory_space<semaphore_mem>>) src(%dma_wait3A_18 : memref<640xf32, #tpu.memory_space<vmem_shared>>) dst(%dma_wait3A : memref<640xf32, #tpu.memory_space<hbm>>)
        tpu.yield
      }) : () -> ()
    } else {
    }
    return
  }
}

#map = affine_map<(d0, d1) -> (0, 0)>
#map1 = affine_map<(d0, d1) -> (0, 0, 0, 0)>
module attributes {stable_mosaic.version = 14 : i64} {
  func.func @_agg_conv2(%arg0: i32, %arg1: i32, %arg2: memref<10240x128xf32, #tpu.memory_space<hbm>>, %arg3: memref<2x16x65x80xi32, #tpu.memory_space<hbm>>, %arg4: memref<2x16x65x80xi32, #tpu.memory_space<hbm>>, %arg5: memref<128x128xf32, #tpu.memory_space<hbm>>, %arg6: memref<10240x128xf32, #tpu.memory_space<hbm>>, %arg7: memref<10240x128xf32, #tpu.memory_space<hbm>>, %arg8: memref<10240x128xf32, #tpu.memory_space<vmem_shared>>, %arg9: memref<65x80xi32, #tpu.memory_space<vmem>>, %arg10: memref<65x80xi32, #tpu.memory_space<vmem>>, %arg11: memref<80x128xf32, #tpu.memory_space<vmem>>, %arg12: memref<!tpu.dma_semaphore, #tpu.memory_space<semaphore_mem>>) attributes {dimension_semantics = [#tpu.dimension_semantics<core_parallel>, #tpu.dimension_semantics<subcore_parallel>], iteration_bounds = array<i64: 2, 16>, scalar_prefetch = 0 : i64, scratch_operands = 5 : i64, tpu.core_type = #tpu.core_type<sc_vector_subcore>, window_params = [{transform_indices = #map}, {transform_indices = #map1}, {transform_indices = #map1}, {transform_indices = #map}, {transform_indices = #map}, {transform_indices = #map}]} {
    "tpu.region"() ({
      %run_scoped3A = tpu.sem_alloc : memref<!tpu.dma_semaphore, #tpu.memory_space<semaphore_mem>>
      %dma_start3A = arith.constant 0 : i32
      %dma_start3A_22 = arith.constant 0 : i32
      %dma_start3A_23 = tpu.memref_slice %arg3[%arg0, %arg1, %dma_start3A, %dma_start3A_22] : memref<2x16x65x80xi32, #tpu.memory_space<hbm>> -> memref<1x1x65x80xi32, #tpu.memory_space<hbm>>
      %dma_start3A_24 = tpu.memref_squeeze %dma_start3A_23 : memref<1x1x65x80xi32, #tpu.memory_space<hbm>> -> memref<65x80xi32, #tpu.memory_space<hbm>>
      %dma_start3A_25 = arith.constant 0 : i32
      %dma_start3A_26 = arith.constant 0 : i32
      %dma_start3A_27 = tpu.memref_slice %arg3[%arg0, %arg1, %dma_start3A_25, %dma_start3A_26] : memref<2x16x65x80xi32, #tpu.memory_space<hbm>> -> memref<1x1x65x80xi32, #tpu.memory_space<hbm>>
      %dma_start3A_28 = tpu.memref_squeeze %dma_start3A_27 : memref<1x1x65x80xi32, #tpu.memory_space<hbm>> -> memref<65x80xi32, #tpu.memory_space<hbm>>
      tpu.enqueue_dma source(%dma_start3A_28 : memref<65x80xi32, #tpu.memory_space<hbm>>) target(%arg9 : memref<65x80xi32, #tpu.memory_space<vmem>>) target_semaphore(%run_scoped3A : memref<!tpu.dma_semaphore, #tpu.memory_space<semaphore_mem>>)
      %dma_wait3A = arith.constant 0 : i32
      %dma_wait3A_29 = arith.constant 0 : i32
      %dma_wait3A_30 = tpu.memref_slice %arg3[%arg0, %arg1, %dma_wait3A, %dma_wait3A_29] : memref<2x16x65x80xi32, #tpu.memory_space<hbm>> -> memref<1x1x65x80xi32, #tpu.memory_space<hbm>>
      %dma_wait3A_31 = tpu.memref_squeeze %dma_wait3A_30 : memref<1x1x65x80xi32, #tpu.memory_space<hbm>> -> memref<65x80xi32, #tpu.memory_space<hbm>>
      %dma_wait3A_32 = arith.constant 0 : i32
      %dma_wait3A_33 = arith.constant 0 : i32
      %dma_wait3A_34 = tpu.memref_slice %arg3[%arg0, %arg1, %dma_wait3A_32, %dma_wait3A_33] : memref<2x16x65x80xi32, #tpu.memory_space<hbm>> -> memref<1x1x65x80xi32, #tpu.memory_space<hbm>>
      %dma_wait3A_35 = tpu.memref_squeeze %dma_wait3A_34 : memref<1x1x65x80xi32, #tpu.memory_space<hbm>> -> memref<65x80xi32, #tpu.memory_space<hbm>>
      tpu.wait_dma2 semaphore(%run_scoped3A : memref<!tpu.dma_semaphore, #tpu.memory_space<semaphore_mem>>) src(%dma_wait3A_35 : memref<65x80xi32, #tpu.memory_space<hbm>>) dst(%arg9 : memref<65x80xi32, #tpu.memory_space<vmem>>)
      tpu.yield
    }) : () -> ()
    "tpu.region"() ({
      %run_scoped3A = tpu.sem_alloc : memref<!tpu.dma_semaphore, #tpu.memory_space<semaphore_mem>>
      %dma_start3A = arith.constant 0 : i32
      %dma_start3A_22 = arith.constant 0 : i32
      %dma_start3A_23 = tpu.memref_slice %arg4[%arg0, %arg1, %dma_start3A, %dma_start3A_22] : memref<2x16x65x80xi32, #tpu.memory_space<hbm>> -> memref<1x1x65x80xi32, #tpu.memory_space<hbm>>
      %dma_start3A_24 = tpu.memref_squeeze %dma_start3A_23 : memref<1x1x65x80xi32, #tpu.memory_space<hbm>> -> memref<65x80xi32, #tpu.memory_space<hbm>>
      %dma_start3A_25 = arith.constant 0 : i32
      %dma_start3A_26 = arith.constant 0 : i32
      %dma_start3A_27 = tpu.memref_slice %arg4[%arg0, %arg1, %dma_start3A_25, %dma_start3A_26] : memref<2x16x65x80xi32, #tpu.memory_space<hbm>> -> memref<1x1x65x80xi32, #tpu.memory_space<hbm>>
      %dma_start3A_28 = tpu.memref_squeeze %dma_start3A_27 : memref<1x1x65x80xi32, #tpu.memory_space<hbm>> -> memref<65x80xi32, #tpu.memory_space<hbm>>
      tpu.enqueue_dma source(%dma_start3A_28 : memref<65x80xi32, #tpu.memory_space<hbm>>) target(%arg10 : memref<65x80xi32, #tpu.memory_space<vmem>>) target_semaphore(%run_scoped3A : memref<!tpu.dma_semaphore, #tpu.memory_space<semaphore_mem>>)
      %dma_wait3A = arith.constant 0 : i32
      %dma_wait3A_29 = arith.constant 0 : i32
      %dma_wait3A_30 = tpu.memref_slice %arg4[%arg0, %arg1, %dma_wait3A, %dma_wait3A_29] : memref<2x16x65x80xi32, #tpu.memory_space<hbm>> -> memref<1x1x65x80xi32, #tpu.memory_space<hbm>>
      %dma_wait3A_31 = tpu.memref_squeeze %dma_wait3A_30 : memref<1x1x65x80xi32, #tpu.memory_space<hbm>> -> memref<65x80xi32, #tpu.memory_space<hbm>>
      %dma_wait3A_32 = arith.constant 0 : i32
      %dma_wait3A_33 = arith.constant 0 : i32
      %dma_wait3A_34 = tpu.memref_slice %arg4[%arg0, %arg1, %dma_wait3A_32, %dma_wait3A_33] : memref<2x16x65x80xi32, #tpu.memory_space<hbm>> -> memref<1x1x65x80xi32, #tpu.memory_space<hbm>>
      %dma_wait3A_35 = tpu.memref_squeeze %dma_wait3A_34 : memref<1x1x65x80xi32, #tpu.memory_space<hbm>> -> memref<65x80xi32, #tpu.memory_space<hbm>>
      tpu.wait_dma2 semaphore(%run_scoped3A : memref<!tpu.dma_semaphore, #tpu.memory_space<semaphore_mem>>) src(%dma_wait3A_35 : memref<65x80xi32, #tpu.memory_space<hbm>>) dst(%arg10 : memref<65x80xi32, #tpu.memory_space<vmem>>)
      tpu.yield
    }) : () -> ()
    %eq3A = arith.constant 0 : i32
    %eq3A_0 = arith.cmpi eq, %arg0, %eq3A : i32
    %convert_element_type3A = arith.extui %eq3A_0 : i1 to i32
    %cond3A = arith.constant 0 : i32
    %cond3A_1 = arith.cmpi ne, %convert_element_type3A, %cond3A : i32
    scf.if %cond3A_1 {
      %mul3A = arith.constant 640 : i32
      %mul3A_22 = arith.muli %arg1, %mul3A : i32
      %scan3A_23 = arith.constant 0 : i32
      %scan3A_24 = arith.constant 5 : i32
      %scan3A_25 = arith.addi %scan3A_23, %scan3A_24 : i32
      %scan3A_26 = arith.constant 1 : i32
      scf.for %scan3A_28 = %scan3A_23 to %scan3A_25 step %scan3A_26  : i32 {
        %mul3A_29 = arith.constant 1 : i32
        %mul3A_30 = arith.muli %scan3A_28, %mul3A_29 : i32
        %add3A = arith.constant 0 : i32
        %add3A_31 = arith.addi %add3A, %mul3A_30 : i32
        %mul3A_32 = arith.constant 128 : i32
        %mul3A_33 = arith.muli %add3A_31, %mul3A_32 : i32
        %add3A_34 = arith.addi %mul3A_22, %mul3A_33 : i32
        "tpu.region"() ({
          %run_scoped3A = tpu.sem_alloc : memref<!tpu.dma_semaphore, #tpu.memory_space<semaphore_mem>>
          %dma_start3A = arith.constant 0 : i32
          %dma_start3A_35 = tpu.memref_slice %arg8[%add3A_34, %dma_start3A] : memref<10240x128xf32, #tpu.memory_space<vmem_shared>> -> memref<128x128xf32, #tpu.memory_space<vmem_shared>>
          %dma_start3A_36 = arith.constant 0 : i32
          %dma_start3A_37 = tpu.memref_slice %arg2[%add3A_34, %dma_start3A_36] : memref<10240x128xf32, #tpu.memory_space<hbm>> -> memref<128x128xf32, #tpu.memory_space<hbm>>
          tpu.enqueue_dma source(%dma_start3A_37 : memref<128x128xf32, #tpu.memory_space<hbm>>) target(%dma_start3A_35 : memref<128x128xf32, #tpu.memory_space<vmem_shared>>) target_semaphore(%run_scoped3A : memref<!tpu.dma_semaphore, #tpu.memory_space<semaphore_mem>>)
          %dma_wait3A = arith.constant 0 : i32
          %dma_wait3A_38 = tpu.memref_slice %arg8[%add3A_34, %dma_wait3A] : memref<10240x128xf32, #tpu.memory_space<vmem_shared>> -> memref<128x128xf32, #tpu.memory_space<vmem_shared>>
          %dma_wait3A_39 = arith.constant 0 : i32
          %dma_wait3A_40 = tpu.memref_slice %arg2[%add3A_34, %dma_wait3A_39] : memref<10240x128xf32, #tpu.memory_space<hbm>> -> memref<128x128xf32, #tpu.memory_space<hbm>>
          tpu.wait_dma2 semaphore(%run_scoped3A : memref<!tpu.dma_semaphore, #tpu.memory_space<semaphore_mem>>) src(%dma_wait3A_40 : memref<128x128xf32, #tpu.memory_space<hbm>>) dst(%dma_wait3A_38 : memref<128x128xf32, #tpu.memory_space<vmem_shared>>)
          tpu.yield
        }) : () -> ()
      }
      %scan3A_27 = arith.constant 5 : i32
    } else {
    }
    %eq3A_2 = arith.constant 1 : i32
    %eq3A_3 = arith.cmpi eq, %arg0, %eq3A_2 : i32
    %convert_element_type3A_4 = arith.extui %eq3A_3 : i1 to i32
    %cond3A_5 = arith.constant 0 : i32
    %cond3A_6 = arith.cmpi ne, %convert_element_type3A_4, %cond3A_5 : i32
    scf.if %cond3A_6 {
      %scan3A_22 = arith.constant 0 : i32
      %scan3A_23 = arith.constant 5 : i32
      %scan3A_24 = arith.addi %scan3A_22, %scan3A_23 : i32
      %scan3A_25 = arith.constant 1 : i32
      scf.for %scan3A_27 = %scan3A_22 to %scan3A_24 step %scan3A_25  : i32 {
        %mul3A = arith.constant 1 : i32
        %mul3A_28 = arith.muli %scan3A_27, %mul3A : i32
        %add3A = arith.constant 0 : i32
        %add3A_29 = arith.addi %add3A, %mul3A_28 : i32
        %mul3A_30 = arith.constant 128 : i32
        %mul3A_31 = arith.muli %add3A_29, %mul3A_30 : i32
        %mul3A_32 = arith.constant 640 : i32
        %mul3A_33 = arith.muli %arg1, %mul3A_32 : i32
        %mul3A_34 = arith.constant 128 : i32
        %mul3A_35 = arith.muli %add3A_29, %mul3A_34 : i32
        %add3A_36 = arith.addi %mul3A_33, %mul3A_35 : i32
        "tpu.region"() ({
          %run_scoped3A = tpu.sem_alloc : memref<!tpu.dma_semaphore, #tpu.memory_space<semaphore_mem>>
          %dma_start3A = arith.constant 0 : i32
          %dma_start3A_37 = tpu.memref_slice %arg8[%add3A_36, %dma_start3A] : memref<10240x128xf32, #tpu.memory_space<vmem_shared>> -> memref<128x128xf32, #tpu.memory_space<vmem_shared>>
          %dma_start3A_38 = arith.constant 0 : i32
          %dma_start3A_39 = tpu.memref_slice %arg5[%mul3A_31, %dma_start3A_38] : memref<128x128xf32, #tpu.memory_space<hbm>> -> memref<128x128xf32, #tpu.memory_space<hbm>>
          tpu.enqueue_dma source(%dma_start3A_39 : memref<128x128xf32, #tpu.memory_space<hbm>>) target(%dma_start3A_37 : memref<128x128xf32, #tpu.memory_space<vmem_shared>>) target_semaphore(%run_scoped3A : memref<!tpu.dma_semaphore, #tpu.memory_space<semaphore_mem>>)
          %dma_wait3A = arith.constant 0 : i32
          %dma_wait3A_40 = tpu.memref_slice %arg8[%add3A_36, %dma_wait3A] : memref<10240x128xf32, #tpu.memory_space<vmem_shared>> -> memref<128x128xf32, #tpu.memory_space<vmem_shared>>
          %dma_wait3A_41 = arith.constant 0 : i32
          %dma_wait3A_42 = tpu.memref_slice %arg5[%mul3A_31, %dma_wait3A_41] : memref<128x128xf32, #tpu.memory_space<hbm>> -> memref<128x128xf32, #tpu.memory_space<hbm>>
          tpu.wait_dma2 semaphore(%run_scoped3A : memref<!tpu.dma_semaphore, #tpu.memory_space<semaphore_mem>>) src(%dma_wait3A_42 : memref<128x128xf32, #tpu.memory_space<hbm>>) dst(%dma_wait3A_40 : memref<128x128xf32, #tpu.memory_space<vmem_shared>>)
          tpu.yield
        }) : () -> ()
      }
      %scan3A_26 = arith.constant 5 : i32
    } else {
    }
    %barrier3A = arith.constant 0 : index
    tpu.barrier barrier_id(%barrier3A)
    %scan3A = arith.constant 0 : i32
    %scan3A_7 = arith.constant 66 : i32
    %scan3A_8 = arith.addi %scan3A, %scan3A_7 : i32
    %scan3A_9 = arith.constant 1 : i32
    scf.for %scan3A_22 = %scan3A to %scan3A_8 step %scan3A_9  : i32 {
      %mul3A = arith.constant 1 : i32
      %mul3A_23 = arith.muli %scan3A_22, %mul3A : i32
      %add3A = arith.constant 0 : i32
      %add3A_24 = arith.addi %add3A, %mul3A_23 : i32
      %ge3A = arith.constant 1 : i32
      %ge3A_25 = arith.cmpi sge, %add3A_24, %ge3A : i32
      %convert_element_type3A_26 = arith.extui %ge3A_25 : i1 to i32
      %cond3A_27 = arith.constant 0 : i32
      %cond3A_28 = arith.cmpi ne, %convert_element_type3A_26, %cond3A_27 : i32
      scf.if %cond3A_28 {
      } else {
      }
      %min3A = arith.constant 64 : i32
      %min3A_29 = arith.minsi %add3A_24, %min3A : i32
      %jit3A = arith.constant 2 : i32
      %eq3A_30 = arith.constant 0 : i32
      %eq3A_31 = arith.cmpi eq, %jit3A, %eq3A_30 : i32
      %jit3A_32 = arith.constant 1 : i32
      %select_n3A = arith.select %eq3A_31, %jit3A_32, %jit3A : i32
      %rem3A = arith.remsi %add3A_24, %select_n3A : i32
      %ne3A = arith.constant 0 : i32
      %ne3A_33 = arith.cmpi ne, %rem3A, %ne3A : i32
      %lt3A = arith.constant 0 : i32
      %lt3A_34 = arith.cmpi slt, %rem3A, %lt3A : i32
      %lt3A_35 = arith.constant 0 : i32
      %lt3A_36 = arith.cmpi slt, %select_n3A, %lt3A_35 : i32
      %ne3A_37 = arith.xori %lt3A_34, %lt3A_36 : i1
      %and3A = arith.andi %ne3A_37, %ne3A_33 : i1
      %add3A_38 = arith.addi %rem3A, %select_n3A : i32
      %select_n3A_39 = arith.select %and3A, %add3A_38, %rem3A : i32
      %dma_start3A = arith.constant 0 : i32
      %dma_start3A_40 = tpu.memref_slice %arg9[%min3A_29, %dma_start3A] : memref<65x80xi32, #tpu.memory_space<vmem>> -> memref<1x80xi32, #tpu.memory_space<vmem>>
      %dma_start3A_41 = tpu.memref_squeeze %dma_start3A_40 : memref<1x80xi32, #tpu.memory_space<vmem>> -> memref<80xi32, #tpu.memory_space<vmem>>
      %dma_start3A_42 = arith.constant 0 : i32
      %dma_start3A_43 = arith.constant 0 : i32
      %dma_start3A_44 = tpu.memref_slice %arg2[%dma_start3A_42, %dma_start3A_43] : memref<10240x128xf32, #tpu.memory_space<hbm>> -> memref<10240x128xf32, #tpu.memory_space<hbm>>
      tpu.enqueue_indirect_dma source(%dma_start3A_44 : memref<10240x128xf32, #tpu.memory_space<hbm>>) target(%arg11 : memref<80x128xf32, #tpu.memory_space<vmem>>) offsets(%dma_start3A_41 : memref<80xi32, #tpu.memory_space<vmem>>) semaphore(%arg12 : memref<!tpu.dma_semaphore, #tpu.memory_space<semaphore_mem>>)
      %dma_wait3A = arith.constant 0 : i32
      %dma_wait3A_45 = tpu.memref_slice %arg9[%min3A_29, %dma_wait3A] : memref<65x80xi32, #tpu.memory_space<vmem>> -> memref<1x80xi32, #tpu.memory_space<vmem>>
      %dma_wait3A_46 = tpu.memref_squeeze %dma_wait3A_45 : memref<1x80xi32, #tpu.memory_space<vmem>> -> memref<80xi32, #tpu.memory_space<vmem>>
      %dma_wait3A_47 = arith.constant 0 : i32
      %dma_wait3A_48 = arith.constant 0 : i32
      %dma_wait3A_49 = tpu.memref_slice %arg2[%dma_wait3A_47, %dma_wait3A_48] : memref<10240x128xf32, #tpu.memory_space<hbm>> -> memref<10240x128xf32, #tpu.memory_space<hbm>>
      tpu.wait_indirect_dma semaphore(%arg12 : memref<!tpu.dma_semaphore, #tpu.memory_space<semaphore_mem>>) src(%dma_wait3A_49 : memref<10240x128xf32, #tpu.memory_space<hbm>>) dst(%arg11 : memref<80x128xf32, #tpu.memory_space<vmem>>)
      %sub3A = arith.constant 1 : i32
      %sub3A_50 = arith.subi %add3A_24, %sub3A : i32
      %max3A = arith.constant 0 : i32
      %max3A_51 = arith.maxsi %sub3A_50, %max3A : i32
      %add3A_52 = arith.constant 1 : i32
      %add3A_53 = arith.addi %add3A_24, %add3A_52 : i32
      %jit3A_54 = arith.constant 2 : i32
      %eq3A_55 = arith.constant 0 : i32
      %eq3A_56 = arith.cmpi eq, %jit3A_54, %eq3A_55 : i32
      %jit3A_57 = arith.constant 1 : i32
      %select_n3A_58 = arith.select %eq3A_56, %jit3A_57, %jit3A_54 : i32
      %rem3A_59 = arith.remsi %add3A_53, %select_n3A_58 : i32
      %ne3A_60 = arith.constant 0 : i32
      %ne3A_61 = arith.cmpi ne, %rem3A_59, %ne3A_60 : i32
      %lt3A_62 = arith.constant 0 : i32
      %lt3A_63 = arith.cmpi slt, %rem3A_59, %lt3A_62 : i32
      %lt3A_64 = arith.constant 0 : i32
      %lt3A_65 = arith.cmpi slt, %select_n3A_58, %lt3A_64 : i32
      %ne3A_66 = arith.xori %lt3A_63, %lt3A_65 : i1
      %and3A_67 = arith.andi %ne3A_66, %ne3A_61 : i1
      %add3A_68 = arith.addi %rem3A_59, %select_n3A_58 : i32
      %select_n3A_69 = arith.select %and3A_67, %add3A_68, %rem3A_59 : i32
      "tpu.region"() ({
        %run_scoped3A = tpu.sem_alloc : memref<!tpu.dma_semaphore, #tpu.memory_space<semaphore_mem>>
        %dma_start3A_70 = arith.constant 0 : i32
        %dma_start3A_71 = tpu.memref_slice %arg10[%max3A_51, %dma_start3A_70] : memref<65x80xi32, #tpu.memory_space<vmem>> -> memref<1x80xi32, #tpu.memory_space<vmem>>
        %dma_start3A_72 = tpu.memref_squeeze %dma_start3A_71 : memref<1x80xi32, #tpu.memory_space<vmem>> -> memref<80xi32, #tpu.memory_space<vmem>>
        %dma_start3A_73 = arith.constant 0 : i32
        %dma_start3A_74 = arith.constant 0 : i32
        %dma_start3A_75 = tpu.memref_slice %arg8[%dma_start3A_73, %dma_start3A_74] : memref<10240x128xf32, #tpu.memory_space<vmem_shared>> -> memref<10240x128xf32, #tpu.memory_space<vmem_shared>>
        tpu.enqueue_indirect_dma source(%arg11 : memref<80x128xf32, #tpu.memory_space<vmem>>) target(%dma_start3A_75 : memref<10240x128xf32, #tpu.memory_space<vmem_shared>>) offsets(%dma_start3A_72 : memref<80xi32, #tpu.memory_space<vmem>>) semaphore(%run_scoped3A : memref<!tpu.dma_semaphore, #tpu.memory_space<semaphore_mem>>) {add = true}
        %dma_wait3A_76 = arith.constant 0 : i32
        %dma_wait3A_77 = tpu.memref_slice %arg10[%max3A_51, %dma_wait3A_76] : memref<65x80xi32, #tpu.memory_space<vmem>> -> memref<1x80xi32, #tpu.memory_space<vmem>>
        %dma_wait3A_78 = tpu.memref_squeeze %dma_wait3A_77 : memref<1x80xi32, #tpu.memory_space<vmem>> -> memref<80xi32, #tpu.memory_space<vmem>>
        %dma_wait3A_79 = arith.constant 0 : i32
        %dma_wait3A_80 = arith.constant 0 : i32
        %dma_wait3A_81 = tpu.memref_slice %arg8[%dma_wait3A_79, %dma_wait3A_80] : memref<10240x128xf32, #tpu.memory_space<vmem_shared>> -> memref<10240x128xf32, #tpu.memory_space<vmem_shared>>
        tpu.wait_indirect_dma semaphore(%run_scoped3A : memref<!tpu.dma_semaphore, #tpu.memory_space<semaphore_mem>>) src(%arg11 : memref<80x128xf32, #tpu.memory_space<vmem>>) dst(%dma_wait3A_81 : memref<10240x128xf32, #tpu.memory_space<vmem_shared>>)
        tpu.yield
      }) : () -> ()
    }
    %scan3A_10 = arith.constant 66 : i32
    %barrier3A_11 = arith.constant 0 : index
    tpu.barrier barrier_id(%barrier3A_11)
    %eq3A_12 = arith.constant 0 : i32
    %eq3A_13 = arith.cmpi eq, %arg0, %eq3A_12 : i32
    %convert_element_type3A_14 = arith.extui %eq3A_13 : i1 to i32
    %cond3A_15 = arith.constant 0 : i32
    %cond3A_16 = arith.cmpi ne, %convert_element_type3A_14, %cond3A_15 : i32
    scf.if %cond3A_16 {
      %mul3A = arith.constant 640 : i32
      %mul3A_22 = arith.muli %arg1, %mul3A : i32
      %scan3A_23 = arith.constant 0 : i32
      %scan3A_24 = arith.constant 5 : i32
      %scan3A_25 = arith.addi %scan3A_23, %scan3A_24 : i32
      %scan3A_26 = arith.constant 1 : i32
      scf.for %scan3A_28 = %scan3A_23 to %scan3A_25 step %scan3A_26  : i32 {
        %mul3A_29 = arith.constant 1 : i32
        %mul3A_30 = arith.muli %scan3A_28, %mul3A_29 : i32
        %add3A = arith.constant 0 : i32
        %add3A_31 = arith.addi %add3A, %mul3A_30 : i32
        %mul3A_32 = arith.constant 128 : i32
        %mul3A_33 = arith.muli %add3A_31, %mul3A_32 : i32
        %add3A_34 = arith.addi %mul3A_22, %mul3A_33 : i32
        "tpu.region"() ({
          %run_scoped3A = tpu.sem_alloc : memref<!tpu.dma_semaphore, #tpu.memory_space<semaphore_mem>>
          %dma_start3A = arith.constant 0 : i32
          %dma_start3A_35 = tpu.memref_slice %arg6[%add3A_34, %dma_start3A] : memref<10240x128xf32, #tpu.memory_space<hbm>> -> memref<128x128xf32, #tpu.memory_space<hbm>>
          %dma_start3A_36 = arith.constant 0 : i32
          %dma_start3A_37 = tpu.memref_slice %arg8[%add3A_34, %dma_start3A_36] : memref<10240x128xf32, #tpu.memory_space<vmem_shared>> -> memref<128x128xf32, #tpu.memory_space<vmem_shared>>
          tpu.enqueue_dma source(%dma_start3A_37 : memref<128x128xf32, #tpu.memory_space<vmem_shared>>) target(%dma_start3A_35 : memref<128x128xf32, #tpu.memory_space<hbm>>) target_semaphore(%run_scoped3A : memref<!tpu.dma_semaphore, #tpu.memory_space<semaphore_mem>>)
          %dma_wait3A = arith.constant 0 : i32
          %dma_wait3A_38 = tpu.memref_slice %arg6[%add3A_34, %dma_wait3A] : memref<10240x128xf32, #tpu.memory_space<hbm>> -> memref<128x128xf32, #tpu.memory_space<hbm>>
          %dma_wait3A_39 = arith.constant 0 : i32
          %dma_wait3A_40 = tpu.memref_slice %arg8[%add3A_34, %dma_wait3A_39] : memref<10240x128xf32, #tpu.memory_space<vmem_shared>> -> memref<128x128xf32, #tpu.memory_space<vmem_shared>>
          tpu.wait_dma2 semaphore(%run_scoped3A : memref<!tpu.dma_semaphore, #tpu.memory_space<semaphore_mem>>) src(%dma_wait3A_40 : memref<128x128xf32, #tpu.memory_space<vmem_shared>>) dst(%dma_wait3A_38 : memref<128x128xf32, #tpu.memory_space<hbm>>)
          tpu.yield
        }) : () -> ()
      }
      %scan3A_27 = arith.constant 5 : i32
    } else {
    }
    %eq3A_17 = arith.constant 1 : i32
    %eq3A_18 = arith.cmpi eq, %arg0, %eq3A_17 : i32
    %convert_element_type3A_19 = arith.extui %eq3A_18 : i1 to i32
    %cond3A_20 = arith.constant 0 : i32
    %cond3A_21 = arith.cmpi ne, %convert_element_type3A_19, %cond3A_20 : i32
    scf.if %cond3A_21 {
      %mul3A = arith.constant 640 : i32
      %mul3A_22 = arith.muli %arg1, %mul3A : i32
      %scan3A_23 = arith.constant 0 : i32
      %scan3A_24 = arith.constant 5 : i32
      %scan3A_25 = arith.addi %scan3A_23, %scan3A_24 : i32
      %scan3A_26 = arith.constant 1 : i32
      scf.for %scan3A_28 = %scan3A_23 to %scan3A_25 step %scan3A_26  : i32 {
        %mul3A_29 = arith.constant 1 : i32
        %mul3A_30 = arith.muli %scan3A_28, %mul3A_29 : i32
        %add3A = arith.constant 0 : i32
        %add3A_31 = arith.addi %add3A, %mul3A_30 : i32
        %mul3A_32 = arith.constant 128 : i32
        %mul3A_33 = arith.muli %add3A_31, %mul3A_32 : i32
        %add3A_34 = arith.addi %mul3A_22, %mul3A_33 : i32
        "tpu.region"() ({
          %run_scoped3A = tpu.sem_alloc : memref<!tpu.dma_semaphore, #tpu.memory_space<semaphore_mem>>
          %dma_start3A = arith.constant 0 : i32
          %dma_start3A_35 = tpu.memref_slice %arg7[%add3A_34, %dma_start3A] : memref<10240x128xf32, #tpu.memory_space<hbm>> -> memref<128x128xf32, #tpu.memory_space<hbm>>
          %dma_start3A_36 = arith.constant 0 : i32
          %dma_start3A_37 = tpu.memref_slice %arg8[%add3A_34, %dma_start3A_36] : memref<10240x128xf32, #tpu.memory_space<vmem_shared>> -> memref<128x128xf32, #tpu.memory_space<vmem_shared>>
          tpu.enqueue_dma source(%dma_start3A_37 : memref<128x128xf32, #tpu.memory_space<vmem_shared>>) target(%dma_start3A_35 : memref<128x128xf32, #tpu.memory_space<hbm>>) target_semaphore(%run_scoped3A : memref<!tpu.dma_semaphore, #tpu.memory_space<semaphore_mem>>)
          %dma_wait3A = arith.constant 0 : i32
          %dma_wait3A_38 = tpu.memref_slice %arg7[%add3A_34, %dma_wait3A] : memref<10240x128xf32, #tpu.memory_space<hbm>> -> memref<128x128xf32, #tpu.memory_space<hbm>>
          %dma_wait3A_39 = arith.constant 0 : i32
          %dma_wait3A_40 = tpu.memref_slice %arg8[%add3A_34, %dma_wait3A_39] : memref<10240x128xf32, #tpu.memory_space<vmem_shared>> -> memref<128x128xf32, #tpu.memory_space<vmem_shared>>
          tpu.wait_dma2 semaphore(%run_scoped3A : memref<!tpu.dma_semaphore, #tpu.memory_space<semaphore_mem>>) src(%dma_wait3A_40 : memref<128x128xf32, #tpu.memory_space<vmem_shared>>) dst(%dma_wait3A_38 : memref<128x128xf32, #tpu.memory_space<hbm>>)
          tpu.yield
        }) : () -> ()
      }
      %scan3A_27 = arith.constant 5 : i32
    } else {
    }
    return
  }
}

#map = affine_map<(d0, d1) -> (0, 0)>
#map1 = affine_map<(d0, d1) -> (0, 0, 0)>
module attributes {stable_mosaic.version = 14 : i64} {
  func.func @_agg_conv1(%arg0: i32, %arg1: i32, %arg2: memref<10240x128xf32, #tpu.memory_space<hbm>>, %arg3: memref<10240x128xf32, #tpu.memory_space<hbm>>, %arg4: memref<16x126x80xi32, #tpu.memory_space<hbm>>, %arg5: memref<16x126x80xi32, #tpu.memory_space<hbm>>, %arg6: memref<10240x128xf32, #tpu.memory_space<hbm>>, %arg7: memref<10240x128xf32, #tpu.memory_space<hbm>>, %arg8: memref<10240x128xf32, #tpu.memory_space<vmem_shared>>, %arg9: memref<126x80xi32, #tpu.memory_space<vmem>>, %arg10: memref<126x80xi32, #tpu.memory_space<vmem>>, %arg11: memref<80x128xf32, #tpu.memory_space<vmem>>, %arg12: memref<!tpu.dma_semaphore, #tpu.memory_space<semaphore_mem>>) attributes {dimension_semantics = [#tpu.dimension_semantics<core_parallel>, #tpu.dimension_semantics<subcore_parallel>], iteration_bounds = array<i64: 2, 16>, scalar_prefetch = 0 : i64, scratch_operands = 5 : i64, tpu.core_type = #tpu.core_type<sc_vector_subcore>, window_params = [{transform_indices = #map}, {transform_indices = #map}, {transform_indices = #map1}, {transform_indices = #map1}, {transform_indices = #map}, {transform_indices = #map}]} {
    "tpu.region"() ({
      %run_scoped3A = tpu.sem_alloc : memref<!tpu.dma_semaphore, #tpu.memory_space<semaphore_mem>>
      %dma_start3A = arith.constant 0 : i32
      %dma_start3A_7 = arith.constant 0 : i32
      %dma_start3A_8 = tpu.memref_slice %arg4[%arg1, %dma_start3A, %dma_start3A_7] : memref<16x126x80xi32, #tpu.memory_space<hbm>> -> memref<1x126x80xi32, #tpu.memory_space<hbm>>
      %dma_start3A_9 = tpu.memref_squeeze %dma_start3A_8 : memref<1x126x80xi32, #tpu.memory_space<hbm>> -> memref<126x80xi32, #tpu.memory_space<hbm>>
      %dma_start3A_10 = arith.constant 0 : i32
      %dma_start3A_11 = arith.constant 0 : i32
      %dma_start3A_12 = tpu.memref_slice %arg4[%arg1, %dma_start3A_10, %dma_start3A_11] : memref<16x126x80xi32, #tpu.memory_space<hbm>> -> memref<1x126x80xi32, #tpu.memory_space<hbm>>
      %dma_start3A_13 = tpu.memref_squeeze %dma_start3A_12 : memref<1x126x80xi32, #tpu.memory_space<hbm>> -> memref<126x80xi32, #tpu.memory_space<hbm>>
      tpu.enqueue_dma source(%dma_start3A_13 : memref<126x80xi32, #tpu.memory_space<hbm>>) target(%arg9 : memref<126x80xi32, #tpu.memory_space<vmem>>) target_semaphore(%run_scoped3A : memref<!tpu.dma_semaphore, #tpu.memory_space<semaphore_mem>>)
      %dma_wait3A = arith.constant 0 : i32
      %dma_wait3A_14 = arith.constant 0 : i32
      %dma_wait3A_15 = tpu.memref_slice %arg4[%arg1, %dma_wait3A, %dma_wait3A_14] : memref<16x126x80xi32, #tpu.memory_space<hbm>> -> memref<1x126x80xi32, #tpu.memory_space<hbm>>
      %dma_wait3A_16 = tpu.memref_squeeze %dma_wait3A_15 : memref<1x126x80xi32, #tpu.memory_space<hbm>> -> memref<126x80xi32, #tpu.memory_space<hbm>>
      %dma_wait3A_17 = arith.constant 0 : i32
      %dma_wait3A_18 = arith.constant 0 : i32
      %dma_wait3A_19 = tpu.memref_slice %arg4[%arg1, %dma_wait3A_17, %dma_wait3A_18] : memref<16x126x80xi32, #tpu.memory_space<hbm>> -> memref<1x126x80xi32, #tpu.memory_space<hbm>>
      %dma_wait3A_20 = tpu.memref_squeeze %dma_wait3A_19 : memref<1x126x80xi32, #tpu.memory_space<hbm>> -> memref<126x80xi32, #tpu.memory_space<hbm>>
      tpu.wait_dma2 semaphore(%run_scoped3A : memref<!tpu.dma_semaphore, #tpu.memory_space<semaphore_mem>>) src(%dma_wait3A_20 : memref<126x80xi32, #tpu.memory_space<hbm>>) dst(%arg9 : memref<126x80xi32, #tpu.memory_space<vmem>>)
      tpu.yield
    }) : () -> ()
    "tpu.region"() ({
      %run_scoped3A = tpu.sem_alloc : memref<!tpu.dma_semaphore, #tpu.memory_space<semaphore_mem>>
      %dma_start3A = arith.constant 0 : i32
      %dma_start3A_7 = arith.constant 0 : i32
      %dma_start3A_8 = tpu.memref_slice %arg5[%arg1, %dma_start3A, %dma_start3A_7] : memref<16x126x80xi32, #tpu.memory_space<hbm>> -> memref<1x126x80xi32, #tpu.memory_space<hbm>>
      %dma_start3A_9 = tpu.memref_squeeze %dma_start3A_8 : memref<1x126x80xi32, #tpu.memory_space<hbm>> -> memref<126x80xi32, #tpu.memory_space<hbm>>
      %dma_start3A_10 = arith.constant 0 : i32
      %dma_start3A_11 = arith.constant 0 : i32
      %dma_start3A_12 = tpu.memref_slice %arg5[%arg1, %dma_start3A_10, %dma_start3A_11] : memref<16x126x80xi32, #tpu.memory_space<hbm>> -> memref<1x126x80xi32, #tpu.memory_space<hbm>>
      %dma_start3A_13 = tpu.memref_squeeze %dma_start3A_12 : memref<1x126x80xi32, #tpu.memory_space<hbm>> -> memref<126x80xi32, #tpu.memory_space<hbm>>
      tpu.enqueue_dma source(%dma_start3A_13 : memref<126x80xi32, #tpu.memory_space<hbm>>) target(%arg10 : memref<126x80xi32, #tpu.memory_space<vmem>>) target_semaphore(%run_scoped3A : memref<!tpu.dma_semaphore, #tpu.memory_space<semaphore_mem>>)
      %dma_wait3A = arith.constant 0 : i32
      %dma_wait3A_14 = arith.constant 0 : i32
      %dma_wait3A_15 = tpu.memref_slice %arg5[%arg1, %dma_wait3A, %dma_wait3A_14] : memref<16x126x80xi32, #tpu.memory_space<hbm>> -> memref<1x126x80xi32, #tpu.memory_space<hbm>>
      %dma_wait3A_16 = tpu.memref_squeeze %dma_wait3A_15 : memref<1x126x80xi32, #tpu.memory_space<hbm>> -> memref<126x80xi32, #tpu.memory_space<hbm>>
      %dma_wait3A_17 = arith.constant 0 : i32
      %dma_wait3A_18 = arith.constant 0 : i32
      %dma_wait3A_19 = tpu.memref_slice %arg5[%arg1, %dma_wait3A_17, %dma_wait3A_18] : memref<16x126x80xi32, #tpu.memory_space<hbm>> -> memref<1x126x80xi32, #tpu.memory_space<hbm>>
      %dma_wait3A_20 = tpu.memref_squeeze %dma_wait3A_19 : memref<1x126x80xi32, #tpu.memory_space<hbm>> -> memref<126x80xi32, #tpu.memory_space<hbm>>
      tpu.wait_dma2 semaphore(%run_scoped3A : memref<!tpu.dma_semaphore, #tpu.memory_space<semaphore_mem>>) src(%dma_wait3A_20 : memref<126x80xi32, #tpu.memory_space<hbm>>) dst(%arg10 : memref<126x80xi32, #tpu.memory_space<vmem>>)
      tpu.yield
    }) : () -> ()
    %eq3A = arith.constant 0 : i32
    %eq3A_0 = arith.cmpi eq, %arg0, %eq3A : i32
    %convert_element_type3A = arith.extui %eq3A_0 : i1 to i32
    %cond3A = arith.constant 0 : i32
    %cond3A_1 = arith.cmpi ne, %convert_element_type3A, %cond3A : i32
    scf.if %cond3A_1 {
      %mul3A = arith.constant 640 : i32
      %mul3A_7 = arith.muli %arg1, %mul3A : i32
      %scan3A = arith.constant 0 : i32
      %scan3A_8 = arith.constant 5 : i32
      %scan3A_9 = arith.addi %scan3A, %scan3A_8 : i32
      %scan3A_10 = arith.constant 1 : i32
      scf.for %scan3A_25 = %scan3A to %scan3A_9 step %scan3A_10  : i32 {
        %mul3A_26 = arith.constant 1 : i32
        %mul3A_27 = arith.muli %scan3A_25, %mul3A_26 : i32
        %add3A = arith.constant 0 : i32
        %add3A_28 = arith.addi %add3A, %mul3A_27 : i32
        %mul3A_29 = arith.constant 128 : i32
        %mul3A_30 = arith.muli %add3A_28, %mul3A_29 : i32
        %add3A_31 = arith.addi %mul3A_7, %mul3A_30 : i32
        "tpu.region"() ({
          %run_scoped3A = tpu.sem_alloc : memref<!tpu.dma_semaphore, #tpu.memory_space<semaphore_mem>>
          %dma_start3A = arith.constant 0 : i32
          %dma_start3A_32 = tpu.memref_slice %arg8[%add3A_31, %dma_start3A] : memref<10240x128xf32, #tpu.memory_space<vmem_shared>> -> memref<128x128xf32, #tpu.memory_space<vmem_shared>>
          %dma_start3A_33 = arith.constant 0 : i32
          %dma_start3A_34 = tpu.memref_slice %arg2[%add3A_31, %dma_start3A_33] : memref<10240x128xf32, #tpu.memory_space<hbm>> -> memref<128x128xf32, #tpu.memory_space<hbm>>
          tpu.enqueue_dma source(%dma_start3A_34 : memref<128x128xf32, #tpu.memory_space<hbm>>) target(%dma_start3A_32 : memref<128x128xf32, #tpu.memory_space<vmem_shared>>) target_semaphore(%run_scoped3A : memref<!tpu.dma_semaphore, #tpu.memory_space<semaphore_mem>>)
          %dma_wait3A = arith.constant 0 : i32
          %dma_wait3A_35 = tpu.memref_slice %arg8[%add3A_31, %dma_wait3A] : memref<10240x128xf32, #tpu.memory_space<vmem_shared>> -> memref<128x128xf32, #tpu.memory_space<vmem_shared>>
          %dma_wait3A_36 = arith.constant 0 : i32
          %dma_wait3A_37 = tpu.memref_slice %arg2[%add3A_31, %dma_wait3A_36] : memref<10240x128xf32, #tpu.memory_space<hbm>> -> memref<128x128xf32, #tpu.memory_space<hbm>>
          tpu.wait_dma2 semaphore(%run_scoped3A : memref<!tpu.dma_semaphore, #tpu.memory_space<semaphore_mem>>) src(%dma_wait3A_37 : memref<128x128xf32, #tpu.memory_space<hbm>>) dst(%dma_wait3A_35 : memref<128x128xf32, #tpu.memory_space<vmem_shared>>)
          tpu.yield
        }) : () -> ()
      }
      %scan3A_11 = arith.constant 5 : i32
      %barrier3A = arith.constant 0 : index
      tpu.barrier barrier_id(%barrier3A)
      %scan3A_12 = arith.constant 0 : i32
      %scan3A_13 = arith.constant 127 : i32
      %scan3A_14 = arith.addi %scan3A_12, %scan3A_13 : i32
      %scan3A_15 = arith.constant 1 : i32
      scf.for %scan3A_25 = %scan3A_12 to %scan3A_14 step %scan3A_15  : i32 {
        %mul3A_26 = arith.constant 1 : i32
        %mul3A_27 = arith.muli %scan3A_25, %mul3A_26 : i32
        %add3A = arith.constant 0 : i32
        %add3A_28 = arith.addi %add3A, %mul3A_27 : i32
        %ge3A = arith.constant 1 : i32
        %ge3A_29 = arith.cmpi sge, %add3A_28, %ge3A : i32
        %convert_element_type3A_30 = arith.extui %ge3A_29 : i1 to i32
        %cond3A_31 = arith.constant 0 : i32
        %cond3A_32 = arith.cmpi ne, %convert_element_type3A_30, %cond3A_31 : i32
        scf.if %cond3A_32 {
        } else {
        }
        %min3A = arith.constant 125 : i32
        %min3A_33 = arith.minsi %add3A_28, %min3A : i32
        %jit3A = arith.constant 2 : i32
        %eq3A_34 = arith.constant 0 : i32
        %eq3A_35 = arith.cmpi eq, %jit3A, %eq3A_34 : i32
        %jit3A_36 = arith.constant 1 : i32
        %select_n3A = arith.select %eq3A_35, %jit3A_36, %jit3A : i32
        %rem3A = arith.remsi %add3A_28, %select_n3A : i32
        %ne3A = arith.constant 0 : i32
        %ne3A_37 = arith.cmpi ne, %rem3A, %ne3A : i32
        %lt3A = arith.constant 0 : i32
        %lt3A_38 = arith.cmpi slt, %rem3A, %lt3A : i32
        %lt3A_39 = arith.constant 0 : i32
        %lt3A_40 = arith.cmpi slt, %select_n3A, %lt3A_39 : i32
        %ne3A_41 = arith.xori %lt3A_38, %lt3A_40 : i1
        %and3A = arith.andi %ne3A_41, %ne3A_37 : i1
        %add3A_42 = arith.addi %rem3A, %select_n3A : i32
        %select_n3A_43 = arith.select %and3A, %add3A_42, %rem3A : i32
        %dma_start3A = arith.constant 0 : i32
        %dma_start3A_44 = tpu.memref_slice %arg9[%min3A_33, %dma_start3A] : memref<126x80xi32, #tpu.memory_space<vmem>> -> memref<1x80xi32, #tpu.memory_space<vmem>>
        %dma_start3A_45 = tpu.memref_squeeze %dma_start3A_44 : memref<1x80xi32, #tpu.memory_space<vmem>> -> memref<80xi32, #tpu.memory_space<vmem>>
        %dma_start3A_46 = arith.constant 0 : i32
        %dma_start3A_47 = arith.constant 0 : i32
        %dma_start3A_48 = tpu.memref_slice %arg2[%dma_start3A_46, %dma_start3A_47] : memref<10240x128xf32, #tpu.memory_space<hbm>> -> memref<10240x128xf32, #tpu.memory_space<hbm>>
        tpu.enqueue_indirect_dma source(%dma_start3A_48 : memref<10240x128xf32, #tpu.memory_space<hbm>>) target(%arg11 : memref<80x128xf32, #tpu.memory_space<vmem>>) offsets(%dma_start3A_45 : memref<80xi32, #tpu.memory_space<vmem>>) semaphore(%arg12 : memref<!tpu.dma_semaphore, #tpu.memory_space<semaphore_mem>>)
        %dma_wait3A = arith.constant 0 : i32
        %dma_wait3A_49 = tpu.memref_slice %arg9[%min3A_33, %dma_wait3A] : memref<126x80xi32, #tpu.memory_space<vmem>> -> memref<1x80xi32, #tpu.memory_space<vmem>>
        %dma_wait3A_50 = tpu.memref_squeeze %dma_wait3A_49 : memref<1x80xi32, #tpu.memory_space<vmem>> -> memref<80xi32, #tpu.memory_space<vmem>>
        %dma_wait3A_51 = arith.constant 0 : i32
        %dma_wait3A_52 = arith.constant 0 : i32
        %dma_wait3A_53 = tpu.memref_slice %arg2[%dma_wait3A_51, %dma_wait3A_52] : memref<10240x128xf32, #tpu.memory_space<hbm>> -> memref<10240x128xf32, #tpu.memory_space<hbm>>
        tpu.wait_indirect_dma semaphore(%arg12 : memref<!tpu.dma_semaphore, #tpu.memory_space<semaphore_mem>>) src(%dma_wait3A_53 : memref<10240x128xf32, #tpu.memory_space<hbm>>) dst(%arg11 : memref<80x128xf32, #tpu.memory_space<vmem>>)
        %sub3A = arith.constant 1 : i32
        %sub3A_54 = arith.subi %add3A_28, %sub3A : i32
        %max3A = arith.constant 0 : i32
        %max3A_55 = arith.maxsi %sub3A_54, %max3A : i32
        %add3A_56 = arith.constant 1 : i32
        %add3A_57 = arith.addi %add3A_28, %add3A_56 : i32
        %jit3A_58 = arith.constant 2 : i32
        %eq3A_59 = arith.constant 0 : i32
        %eq3A_60 = arith.cmpi eq, %jit3A_58, %eq3A_59 : i32
        %jit3A_61 = arith.constant 1 : i32
        %select_n3A_62 = arith.select %eq3A_60, %jit3A_61, %jit3A_58 : i32
        %rem3A_63 = arith.remsi %add3A_57, %select_n3A_62 : i32
        %ne3A_64 = arith.constant 0 : i32
        %ne3A_65 = arith.cmpi ne, %rem3A_63, %ne3A_64 : i32
        %lt3A_66 = arith.constant 0 : i32
        %lt3A_67 = arith.cmpi slt, %rem3A_63, %lt3A_66 : i32
        %lt3A_68 = arith.constant 0 : i32
        %lt3A_69 = arith.cmpi slt, %select_n3A_62, %lt3A_68 : i32
        %ne3A_70 = arith.xori %lt3A_67, %lt3A_69 : i1
        %and3A_71 = arith.andi %ne3A_70, %ne3A_65 : i1
        %add3A_72 = arith.addi %rem3A_63, %select_n3A_62 : i32
        %select_n3A_73 = arith.select %and3A_71, %add3A_72, %rem3A_63 : i32
        "tpu.region"() ({
          %run_scoped3A = tpu.sem_alloc : memref<!tpu.dma_semaphore, #tpu.memory_space<semaphore_mem>>
          %dma_start3A_74 = arith.constant 0 : i32
          %dma_start3A_75 = tpu.memref_slice %arg10[%max3A_55, %dma_start3A_74] : memref<126x80xi32, #tpu.memory_space<vmem>> -> memref<1x80xi32, #tpu.memory_space<vmem>>
          %dma_start3A_76 = tpu.memref_squeeze %dma_start3A_75 : memref<1x80xi32, #tpu.memory_space<vmem>> -> memref<80xi32, #tpu.memory_space<vmem>>
          %dma_start3A_77 = arith.constant 0 : i32
          %dma_start3A_78 = arith.constant 0 : i32
          %dma_start3A_79 = tpu.memref_slice %arg8[%dma_start3A_77, %dma_start3A_78] : memref<10240x128xf32, #tpu.memory_space<vmem_shared>> -> memref<10240x128xf32, #tpu.memory_space<vmem_shared>>
          tpu.enqueue_indirect_dma source(%arg11 : memref<80x128xf32, #tpu.memory_space<vmem>>) target(%dma_start3A_79 : memref<10240x128xf32, #tpu.memory_space<vmem_shared>>) offsets(%dma_start3A_76 : memref<80xi32, #tpu.memory_space<vmem>>) semaphore(%run_scoped3A : memref<!tpu.dma_semaphore, #tpu.memory_space<semaphore_mem>>) {add = true}
          %dma_wait3A_80 = arith.constant 0 : i32
          %dma_wait3A_81 = tpu.memref_slice %arg10[%max3A_55, %dma_wait3A_80] : memref<126x80xi32, #tpu.memory_space<vmem>> -> memref<1x80xi32, #tpu.memory_space<vmem>>
          %dma_wait3A_82 = tpu.memref_squeeze %dma_wait3A_81 : memref<1x80xi32, #tpu.memory_space<vmem>> -> memref<80xi32, #tpu.memory_space<vmem>>
          %dma_wait3A_83 = arith.constant 0 : i32
          %dma_wait3A_84 = arith.constant 0 : i32
          %dma_wait3A_85 = tpu.memref_slice %arg8[%dma_wait3A_83, %dma_wait3A_84] : memref<10240x128xf32, #tpu.memory_space<vmem_shared>> -> memref<10240x128xf32, #tpu.memory_space<vmem_shared>>
          tpu.wait_indirect_dma semaphore(%run_scoped3A : memref<!tpu.dma_semaphore, #tpu.memory_space<semaphore_mem>>) src(%arg11 : memref<80x128xf32, #tpu.memory_space<vmem>>) dst(%dma_wait3A_85 : memref<10240x128xf32, #tpu.memory_space<vmem_shared>>)
          tpu.yield
        }) : () -> ()
      }
      %scan3A_16 = arith.constant 127 : i32
      %barrier3A_17 = arith.constant 0 : index
      tpu.barrier barrier_id(%barrier3A_17)
      %mul3A_18 = arith.constant 640 : i32
      %mul3A_19 = arith.muli %arg1, %mul3A_18 : i32
      %scan3A_20 = arith.constant 0 : i32
      %scan3A_21 = arith.constant 5 : i32
      %scan3A_22 = arith.addi %scan3A_20, %scan3A_21 : i32
      %scan3A_23 = arith.constant 1 : i32
      scf.for %scan3A_25 = %scan3A_20 to %scan3A_22 step %scan3A_23  : i32 {
        %mul3A_26 = arith.constant 1 : i32
        %mul3A_27 = arith.muli %scan3A_25, %mul3A_26 : i32
        %add3A = arith.constant 0 : i32
        %add3A_28 = arith.addi %add3A, %mul3A_27 : i32
        %mul3A_29 = arith.constant 128 : i32
        %mul3A_30 = arith.muli %add3A_28, %mul3A_29 : i32
        %add3A_31 = arith.addi %mul3A_19, %mul3A_30 : i32
        "tpu.region"() ({
          %run_scoped3A = tpu.sem_alloc : memref<!tpu.dma_semaphore, #tpu.memory_space<semaphore_mem>>
          %dma_start3A = arith.constant 0 : i32
          %dma_start3A_32 = tpu.memref_slice %arg6[%add3A_31, %dma_start3A] : memref<10240x128xf32, #tpu.memory_space<hbm>> -> memref<128x128xf32, #tpu.memory_space<hbm>>
          %dma_start3A_33 = arith.constant 0 : i32
          %dma_start3A_34 = tpu.memref_slice %arg8[%add3A_31, %dma_start3A_33] : memref<10240x128xf32, #tpu.memory_space<vmem_shared>> -> memref<128x128xf32, #tpu.memory_space<vmem_shared>>
          tpu.enqueue_dma source(%dma_start3A_34 : memref<128x128xf32, #tpu.memory_space<vmem_shared>>) target(%dma_start3A_32 : memref<128x128xf32, #tpu.memory_space<hbm>>) target_semaphore(%run_scoped3A : memref<!tpu.dma_semaphore, #tpu.memory_space<semaphore_mem>>)
          %dma_wait3A = arith.constant 0 : i32
          %dma_wait3A_35 = tpu.memref_slice %arg6[%add3A_31, %dma_wait3A] : memref<10240x128xf32, #tpu.memory_space<hbm>> -> memref<128x128xf32, #tpu.memory_space<hbm>>
          %dma_wait3A_36 = arith.constant 0 : i32
          %dma_wait3A_37 = tpu.memref_slice %arg8[%add3A_31, %dma_wait3A_36] : memref<10240x128xf32, #tpu.memory_space<vmem_shared>> -> memref<128x128xf32, #tpu.memory_space<vmem_shared>>
          tpu.wait_dma2 semaphore(%run_scoped3A : memref<!tpu.dma_semaphore, #tpu.memory_space<semaphore_mem>>) src(%dma_wait3A_37 : memref<128x128xf32, #tpu.memory_space<vmem_shared>>) dst(%dma_wait3A_35 : memref<128x128xf32, #tpu.memory_space<hbm>>)
          tpu.yield
        }) : () -> ()
      }
      %scan3A_24 = arith.constant 5 : i32
    } else {
    }
    %eq3A_2 = arith.constant 1 : i32
    %eq3A_3 = arith.cmpi eq, %arg0, %eq3A_2 : i32
    %convert_element_type3A_4 = arith.extui %eq3A_3 : i1 to i32
    %cond3A_5 = arith.constant 0 : i32
    %cond3A_6 = arith.cmpi ne, %convert_element_type3A_4, %cond3A_5 : i32
    scf.if %cond3A_6 {
      %mul3A = arith.constant 640 : i32
      %mul3A_7 = arith.muli %arg1, %mul3A : i32
      %scan3A = arith.constant 0 : i32
      %scan3A_8 = arith.constant 5 : i32
      %scan3A_9 = arith.addi %scan3A, %scan3A_8 : i32
      %scan3A_10 = arith.constant 1 : i32
      scf.for %scan3A_25 = %scan3A to %scan3A_9 step %scan3A_10  : i32 {
        %mul3A_26 = arith.constant 1 : i32
        %mul3A_27 = arith.muli %scan3A_25, %mul3A_26 : i32
        %add3A = arith.constant 0 : i32
        %add3A_28 = arith.addi %add3A, %mul3A_27 : i32
        %mul3A_29 = arith.constant 128 : i32
        %mul3A_30 = arith.muli %add3A_28, %mul3A_29 : i32
        %add3A_31 = arith.addi %mul3A_7, %mul3A_30 : i32
        "tpu.region"() ({
          %run_scoped3A = tpu.sem_alloc : memref<!tpu.dma_semaphore, #tpu.memory_space<semaphore_mem>>
          %dma_start3A = arith.constant 0 : i32
          %dma_start3A_32 = tpu.memref_slice %arg8[%add3A_31, %dma_start3A] : memref<10240x128xf32, #tpu.memory_space<vmem_shared>> -> memref<128x128xf32, #tpu.memory_space<vmem_shared>>
          %dma_start3A_33 = arith.constant 0 : i32
          %dma_start3A_34 = tpu.memref_slice %arg3[%add3A_31, %dma_start3A_33] : memref<10240x128xf32, #tpu.memory_space<hbm>> -> memref<128x128xf32, #tpu.memory_space<hbm>>
          tpu.enqueue_dma source(%dma_start3A_34 : memref<128x128xf32, #tpu.memory_space<hbm>>) target(%dma_start3A_32 : memref<128x128xf32, #tpu.memory_space<vmem_shared>>) target_semaphore(%run_scoped3A : memref<!tpu.dma_semaphore, #tpu.memory_space<semaphore_mem>>)
          %dma_wait3A = arith.constant 0 : i32
          %dma_wait3A_35 = tpu.memref_slice %arg8[%add3A_31, %dma_wait3A] : memref<10240x128xf32, #tpu.memory_space<vmem_shared>> -> memref<128x128xf32, #tpu.memory_space<vmem_shared>>
          %dma_wait3A_36 = arith.constant 0 : i32
          %dma_wait3A_37 = tpu.memref_slice %arg3[%add3A_31, %dma_wait3A_36] : memref<10240x128xf32, #tpu.memory_space<hbm>> -> memref<128x128xf32, #tpu.memory_space<hbm>>
          tpu.wait_dma2 semaphore(%run_scoped3A : memref<!tpu.dma_semaphore, #tpu.memory_space<semaphore_mem>>) src(%dma_wait3A_37 : memref<128x128xf32, #tpu.memory_space<hbm>>) dst(%dma_wait3A_35 : memref<128x128xf32, #tpu.memory_space<vmem_shared>>)
          tpu.yield
        }) : () -> ()
      }
      %scan3A_11 = arith.constant 5 : i32
      %barrier3A = arith.constant 0 : index
      tpu.barrier barrier_id(%barrier3A)
      %scan3A_12 = arith.constant 0 : i32
      %scan3A_13 = arith.constant 127 : i32
      %scan3A_14 = arith.addi %scan3A_12, %scan3A_13 : i32
      %scan3A_15 = arith.constant 1 : i32
      scf.for %scan3A_25 = %scan3A_12 to %scan3A_14 step %scan3A_15  : i32 {
        %mul3A_26 = arith.constant 1 : i32
        %mul3A_27 = arith.muli %scan3A_25, %mul3A_26 : i32
        %add3A = arith.constant 0 : i32
        %add3A_28 = arith.addi %add3A, %mul3A_27 : i32
        %ge3A = arith.constant 1 : i32
        %ge3A_29 = arith.cmpi sge, %add3A_28, %ge3A : i32
        %convert_element_type3A_30 = arith.extui %ge3A_29 : i1 to i32
        %cond3A_31 = arith.constant 0 : i32
        %cond3A_32 = arith.cmpi ne, %convert_element_type3A_30, %cond3A_31 : i32
        scf.if %cond3A_32 {
        } else {
        }
        %min3A = arith.constant 125 : i32
        %min3A_33 = arith.minsi %add3A_28, %min3A : i32
        %jit3A = arith.constant 2 : i32
        %eq3A_34 = arith.constant 0 : i32
        %eq3A_35 = arith.cmpi eq, %jit3A, %eq3A_34 : i32
        %jit3A_36 = arith.constant 1 : i32
        %select_n3A = arith.select %eq3A_35, %jit3A_36, %jit3A : i32
        %rem3A = arith.remsi %add3A_28, %select_n3A : i32
        %ne3A = arith.constant 0 : i32
        %ne3A_37 = arith.cmpi ne, %rem3A, %ne3A : i32
        %lt3A = arith.constant 0 : i32
        %lt3A_38 = arith.cmpi slt, %rem3A, %lt3A : i32
        %lt3A_39 = arith.constant 0 : i32
        %lt3A_40 = arith.cmpi slt, %select_n3A, %lt3A_39 : i32
        %ne3A_41 = arith.xori %lt3A_38, %lt3A_40 : i1
        %and3A = arith.andi %ne3A_41, %ne3A_37 : i1
        %add3A_42 = arith.addi %rem3A, %select_n3A : i32
        %select_n3A_43 = arith.select %and3A, %add3A_42, %rem3A : i32
        %dma_start3A = arith.constant 0 : i32
        %dma_start3A_44 = tpu.memref_slice %arg9[%min3A_33, %dma_start3A] : memref<126x80xi32, #tpu.memory_space<vmem>> -> memref<1x80xi32, #tpu.memory_space<vmem>>
        %dma_start3A_45 = tpu.memref_squeeze %dma_start3A_44 : memref<1x80xi32, #tpu.memory_space<vmem>> -> memref<80xi32, #tpu.memory_space<vmem>>
        %dma_start3A_46 = arith.constant 0 : i32
        %dma_start3A_47 = arith.constant 0 : i32
        %dma_start3A_48 = tpu.memref_slice %arg3[%dma_start3A_46, %dma_start3A_47] : memref<10240x128xf32, #tpu.memory_space<hbm>> -> memref<10240x128xf32, #tpu.memory_space<hbm>>
        tpu.enqueue_indirect_dma source(%dma_start3A_48 : memref<10240x128xf32, #tpu.memory_space<hbm>>) target(%arg11 : memref<80x128xf32, #tpu.memory_space<vmem>>) offsets(%dma_start3A_45 : memref<80xi32, #tpu.memory_space<vmem>>) semaphore(%arg12 : memref<!tpu.dma_semaphore, #tpu.memory_space<semaphore_mem>>)
        %dma_wait3A = arith.constant 0 : i32
        %dma_wait3A_49 = tpu.memref_slice %arg9[%min3A_33, %dma_wait3A] : memref<126x80xi32, #tpu.memory_space<vmem>> -> memref<1x80xi32, #tpu.memory_space<vmem>>
        %dma_wait3A_50 = tpu.memref_squeeze %dma_wait3A_49 : memref<1x80xi32, #tpu.memory_space<vmem>> -> memref<80xi32, #tpu.memory_space<vmem>>
        %dma_wait3A_51 = arith.constant 0 : i32
        %dma_wait3A_52 = arith.constant 0 : i32
        %dma_wait3A_53 = tpu.memref_slice %arg3[%dma_wait3A_51, %dma_wait3A_52] : memref<10240x128xf32, #tpu.memory_space<hbm>> -> memref<10240x128xf32, #tpu.memory_space<hbm>>
        tpu.wait_indirect_dma semaphore(%arg12 : memref<!tpu.dma_semaphore, #tpu.memory_space<semaphore_mem>>) src(%dma_wait3A_53 : memref<10240x128xf32, #tpu.memory_space<hbm>>) dst(%arg11 : memref<80x128xf32, #tpu.memory_space<vmem>>)
        %sub3A = arith.constant 1 : i32
        %sub3A_54 = arith.subi %add3A_28, %sub3A : i32
        %max3A = arith.constant 0 : i32
        %max3A_55 = arith.maxsi %sub3A_54, %max3A : i32
        %add3A_56 = arith.constant 1 : i32
        %add3A_57 = arith.addi %add3A_28, %add3A_56 : i32
        %jit3A_58 = arith.constant 2 : i32
        %eq3A_59 = arith.constant 0 : i32
        %eq3A_60 = arith.cmpi eq, %jit3A_58, %eq3A_59 : i32
        %jit3A_61 = arith.constant 1 : i32
        %select_n3A_62 = arith.select %eq3A_60, %jit3A_61, %jit3A_58 : i32
        %rem3A_63 = arith.remsi %add3A_57, %select_n3A_62 : i32
        %ne3A_64 = arith.constant 0 : i32
        %ne3A_65 = arith.cmpi ne, %rem3A_63, %ne3A_64 : i32
        %lt3A_66 = arith.constant 0 : i32
        %lt3A_67 = arith.cmpi slt, %rem3A_63, %lt3A_66 : i32
        %lt3A_68 = arith.constant 0 : i32
        %lt3A_69 = arith.cmpi slt, %select_n3A_62, %lt3A_68 : i32
        %ne3A_70 = arith.xori %lt3A_67, %lt3A_69 : i1
        %and3A_71 = arith.andi %ne3A_70, %ne3A_65 : i1
        %add3A_72 = arith.addi %rem3A_63, %select_n3A_62 : i32
        %select_n3A_73 = arith.select %and3A_71, %add3A_72, %rem3A_63 : i32
        "tpu.region"() ({
          %run_scoped3A = tpu.sem_alloc : memref<!tpu.dma_semaphore, #tpu.memory_space<semaphore_mem>>
          %dma_start3A_74 = arith.constant 0 : i32
          %dma_start3A_75 = tpu.memref_slice %arg10[%max3A_55, %dma_start3A_74] : memref<126x80xi32, #tpu.memory_space<vmem>> -> memref<1x80xi32, #tpu.memory_space<vmem>>
          %dma_start3A_76 = tpu.memref_squeeze %dma_start3A_75 : memref<1x80xi32, #tpu.memory_space<vmem>> -> memref<80xi32, #tpu.memory_space<vmem>>
          %dma_start3A_77 = arith.constant 0 : i32
          %dma_start3A_78 = arith.constant 0 : i32
          %dma_start3A_79 = tpu.memref_slice %arg8[%dma_start3A_77, %dma_start3A_78] : memref<10240x128xf32, #tpu.memory_space<vmem_shared>> -> memref<10240x128xf32, #tpu.memory_space<vmem_shared>>
          tpu.enqueue_indirect_dma source(%arg11 : memref<80x128xf32, #tpu.memory_space<vmem>>) target(%dma_start3A_79 : memref<10240x128xf32, #tpu.memory_space<vmem_shared>>) offsets(%dma_start3A_76 : memref<80xi32, #tpu.memory_space<vmem>>) semaphore(%run_scoped3A : memref<!tpu.dma_semaphore, #tpu.memory_space<semaphore_mem>>) {add = true}
          %dma_wait3A_80 = arith.constant 0 : i32
          %dma_wait3A_81 = tpu.memref_slice %arg10[%max3A_55, %dma_wait3A_80] : memref<126x80xi32, #tpu.memory_space<vmem>> -> memref<1x80xi32, #tpu.memory_space<vmem>>
          %dma_wait3A_82 = tpu.memref_squeeze %dma_wait3A_81 : memref<1x80xi32, #tpu.memory_space<vmem>> -> memref<80xi32, #tpu.memory_space<vmem>>
          %dma_wait3A_83 = arith.constant 0 : i32
          %dma_wait3A_84 = arith.constant 0 : i32
          %dma_wait3A_85 = tpu.memref_slice %arg8[%dma_wait3A_83, %dma_wait3A_84] : memref<10240x128xf32, #tpu.memory_space<vmem_shared>> -> memref<10240x128xf32, #tpu.memory_space<vmem_shared>>
          tpu.wait_indirect_dma semaphore(%run_scoped3A : memref<!tpu.dma_semaphore, #tpu.memory_space<semaphore_mem>>) src(%arg11 : memref<80x128xf32, #tpu.memory_space<vmem>>) dst(%dma_wait3A_85 : memref<10240x128xf32, #tpu.memory_space<vmem_shared>>)
          tpu.yield
        }) : () -> ()
      }
      %scan3A_16 = arith.constant 127 : i32
      %barrier3A_17 = arith.constant 0 : index
      tpu.barrier barrier_id(%barrier3A_17)
      %mul3A_18 = arith.constant 640 : i32
      %mul3A_19 = arith.muli %arg1, %mul3A_18 : i32
      %scan3A_20 = arith.constant 0 : i32
      %scan3A_21 = arith.constant 5 : i32
      %scan3A_22 = arith.addi %scan3A_20, %scan3A_21 : i32
      %scan3A_23 = arith.constant 1 : i32
      scf.for %scan3A_25 = %scan3A_20 to %scan3A_22 step %scan3A_23  : i32 {
        %mul3A_26 = arith.constant 1 : i32
        %mul3A_27 = arith.muli %scan3A_25, %mul3A_26 : i32
        %add3A = arith.constant 0 : i32
        %add3A_28 = arith.addi %add3A, %mul3A_27 : i32
        %mul3A_29 = arith.constant 128 : i32
        %mul3A_30 = arith.muli %add3A_28, %mul3A_29 : i32
        %add3A_31 = arith.addi %mul3A_19, %mul3A_30 : i32
        "tpu.region"() ({
          %run_scoped3A = tpu.sem_alloc : memref<!tpu.dma_semaphore, #tpu.memory_space<semaphore_mem>>
          %dma_start3A = arith.constant 0 : i32
          %dma_start3A_32 = tpu.memref_slice %arg7[%add3A_31, %dma_start3A] : memref<10240x128xf32, #tpu.memory_space<hbm>> -> memref<128x128xf32, #tpu.memory_space<hbm>>
          %dma_start3A_33 = arith.constant 0 : i32
          %dma_start3A_34 = tpu.memref_slice %arg8[%add3A_31, %dma_start3A_33] : memref<10240x128xf32, #tpu.memory_space<vmem_shared>> -> memref<128x128xf32, #tpu.memory_space<vmem_shared>>
          tpu.enqueue_dma source(%dma_start3A_34 : memref<128x128xf32, #tpu.memory_space<vmem_shared>>) target(%dma_start3A_32 : memref<128x128xf32, #tpu.memory_space<hbm>>) target_semaphore(%run_scoped3A : memref<!tpu.dma_semaphore, #tpu.memory_space<semaphore_mem>>)
          %dma_wait3A = arith.constant 0 : i32
          %dma_wait3A_35 = tpu.memref_slice %arg7[%add3A_31, %dma_wait3A] : memref<10240x128xf32, #tpu.memory_space<hbm>> -> memref<128x128xf32, #tpu.memory_space<hbm>>
          %dma_wait3A_36 = arith.constant 0 : i32
          %dma_wait3A_37 = tpu.memref_slice %arg8[%add3A_31, %dma_wait3A_36] : memref<10240x128xf32, #tpu.memory_space<vmem_shared>> -> memref<128x128xf32, #tpu.memory_space<vmem_shared>>
          tpu.wait_dma2 semaphore(%run_scoped3A : memref<!tpu.dma_semaphore, #tpu.memory_space<semaphore_mem>>) src(%dma_wait3A_37 : memref<128x128xf32, #tpu.memory_space<vmem_shared>>) dst(%dma_wait3A_35 : memref<128x128xf32, #tpu.memory_space<hbm>>)
          tpu.yield
        }) : () -> ()
      }
      %scan3A_24 = arith.constant 5 : i32
    } else {
    }
    return
  }
}

module attributes {stable_mosaic.version = 14 : i64} {
  func.func @_tc1_body(%arg0: i32, %arg1: memref<2000x256xf32, #tpu.memory_space<vmem>>, %arg2: memref<1x256xf32, #tpu.memory_space<vmem>>, %arg3: memref<1x256xf32, #tpu.memory_space<vmem>>, %arg4: memref<256x256xf32, #tpu.memory_space<vmem>>, %arg5: memref<2000x1xf32, #tpu.memory_space<vmem>>, %arg6: memref<2000x1xf32, #tpu.memory_space<vmem>>, %arg7: memref<2000x128xf32, #tpu.memory_space<vmem>>, %arg8: memref<2000x128xf32, #tpu.memory_space<vmem>>) attributes {dimension_semantics = [#tpu.dimension_semantics<arbitrary>], iteration_bounds = array<i64: 5>, scalar_prefetch = 0 : i64, scratch_operands = 0 : i64, tpu.core_type = #tpu.core_type<tc>, window_params = [{transform_indices = @transform_0, window_bounds = array<i64: 2000, 256>}, {pipeline_mode = #tpu.pipeline_mode<synchronous>, transform_indices = @transform_1, window_bounds = array<i64: 1, 256>}, {pipeline_mode = #tpu.pipeline_mode<synchronous>, transform_indices = @transform_2, window_bounds = array<i64: 1, 256>}, {pipeline_mode = #tpu.pipeline_mode<synchronous>, transform_indices = @transform_3, window_bounds = array<i64: 256, 256>}, {transform_indices = @transform_4, window_bounds = array<i64: 2000, 1>}, {transform_indices = @transform_5, window_bounds = array<i64: 2000, 1>}, {transform_indices = @transform_6, window_bounds = array<i64: 2000, 128>}, {transform_indices = @transform_7, window_bounds = array<i64: 2000, 128>}]} {
    %get3A = arith.constant 0 : index
    %get3A_0 = arith.constant 0 : index
    %get3A_1 = vector.load %arg1[%get3A, %get3A_0] : memref<2000x256xf32, #tpu.memory_space<vmem>>, vector<2000x256xf32>
    %reduce_sum3A = arith.constant dense<0.000000e+00> : vector<2000xf32>
    %reduce_sum3A_2 = vector.multi_reduction <add>, %get3A_1, %reduce_sum3A [1] : vector<2000x256xf32> to vector<2000xf32>
    %broadcast_in_dim3A = vector.shape_cast %reduce_sum3A_2 : vector<2000xf32> to vector<2000x1xf32>
    %div3A = arith.constant 2.560000e+02 : f32
    %div3A_3 = vector.broadcast %div3A : f32 to vector<2000x1xf32>
    %div3A_4 = arith.divf %broadcast_in_dim3A, %div3A_3 : vector<2000x1xf32>
    %sub3A = vector.broadcast %div3A_4 : vector<2000x1xf32> to vector<2000x256xf32>
    %sub3A_5 = arith.subf %get3A_1, %sub3A : vector<2000x256xf32>
    %sub3A_6 = vector.broadcast %div3A_4 : vector<2000x1xf32> to vector<2000x256xf32>
    %sub3A_7 = arith.subf %get3A_1, %sub3A_6 : vector<2000x256xf32>
    %mul3A = arith.mulf %sub3A_5, %sub3A_7 : vector<2000x256xf32>
    %reduce_sum3A_8 = arith.constant dense<0.000000e+00> : vector<2000xf32>
    %reduce_sum3A_9 = vector.multi_reduction <add>, %mul3A, %reduce_sum3A_8 [1] : vector<2000x256xf32> to vector<2000xf32>
    %broadcast_in_dim3A_10 = vector.shape_cast %reduce_sum3A_9 : vector<2000xf32> to vector<2000x1xf32>
    %div3A_11 = arith.constant 2.560000e+02 : f32
    %div3A_12 = vector.broadcast %div3A_11 : f32 to vector<2000x1xf32>
    %div3A_13 = arith.divf %broadcast_in_dim3A_10, %div3A_12 : vector<2000x1xf32>
    %sub3A_14 = vector.broadcast %div3A_4 : vector<2000x1xf32> to vector<2000x256xf32>
    %sub3A_15 = arith.subf %get3A_1, %sub3A_14 : vector<2000x256xf32>
    %add3A = arith.constant 9.99999974E-6 : f32
    %add3A_16 = vector.broadcast %add3A : f32 to vector<2000x1xf32>
    %add3A_17 = arith.addf %div3A_13, %add3A_16 : vector<2000x1xf32>
    %rsqrt3A = math.rsqrt %add3A_17 : vector<2000x1xf32>
    %mul3A_18 = vector.broadcast %rsqrt3A : vector<2000x1xf32> to vector<2000x256xf32>
    %mul3A_19 = arith.mulf %sub3A_15, %mul3A_18 : vector<2000x256xf32>
    %get3A_20 = arith.constant 0 : index
    %get3A_21 = arith.constant 0 : index
    %get3A_22 = vector.load %arg2[%get3A_20, %get3A_21] : memref<1x256xf32, #tpu.memory_space<vmem>>, vector<1x256xf32>
    %mul3A_23 = vector.broadcast %get3A_22 : vector<1x256xf32> to vector<2000x256xf32>
    %mul3A_24 = arith.mulf %mul3A_19, %mul3A_23 : vector<2000x256xf32>
    %get3A_25 = arith.constant 0 : index
    %get3A_26 = arith.constant 0 : index
    %get3A_27 = vector.load %arg3[%get3A_25, %get3A_26] : memref<1x256xf32, #tpu.memory_space<vmem>>, vector<1x256xf32>
    %add3A_28 = vector.broadcast %get3A_27 : vector<1x256xf32> to vector<2000x256xf32>
    %add3A_29 = arith.addf %mul3A_24, %add3A_28 : vector<2000x256xf32>
    %get3A_30 = arith.constant 0 : index
    %get3A_31 = arith.constant 0 : index
    %get3A_32 = vector.load %arg4[%get3A_30, %get3A_31] : memref<256x256xf32, #tpu.memory_space<vmem>>, vector<256x256xf32>
    %dot_general3A = arith.constant dense<0.000000e+00> : vector<2000x256xf32>
    %dot_general3A_33 = tpu.matmul %add3A_29, %get3A_32, %dot_general3A {dimension_numbers = #tpu.dot_dimension_numbers<[1], [0], [0], [1], [0, 0, 1, 1], [], []>, transpose_lhs_hint = false} : vector<2000x256xf32>, vector<256x256xf32>, vector<2000x256xf32> -> vector<2000x256xf32>
    %get3A_34 = arith.constant 0 : index
    %get3A_35 = arith.constant 0 : index
    %get3A_36 = vector.load %arg5[%get3A_34, %get3A_35] : memref<2000x1xf32, #tpu.memory_space<vmem>>, vector<2000x1xf32>
    %get3A_37 = arith.constant 0 : index
    %get3A_38 = arith.constant 0 : index
    %get3A_39 = vector.load %arg6[%get3A_37, %get3A_38] : memref<2000x1xf32, #tpu.memory_space<vmem>>, vector<2000x1xf32>
    %add3A_40 = arith.addf %get3A_36, %get3A_39 : vector<2000x1xf32>
    %add3A_41 = arith.constant 1.000000e+00 : f32
    %add3A_42 = vector.broadcast %add3A_41 : f32 to vector<2000x1xf32>
    %add3A_43 = arith.addf %add3A_40, %add3A_42 : vector<2000x1xf32>
    %rsqrt3A_44 = math.rsqrt %add3A_43 : vector<2000x1xf32>
    %mul3A_45 = vector.broadcast %rsqrt3A_44 : vector<2000x1xf32> to vector<2000x256xf32>
    %mul3A_46 = arith.mulf %dot_general3A_33, %mul3A_45 : vector<2000x256xf32>
    %slice3A = vector.extract_strided_slice %mul3A_46 {offsets = [0, 0], sizes = [2000, 128], strides = [1, 1]} : vector<2000x256xf32> to vector<2000x128xf32>
    %swap3A = arith.constant 0 : index
    %swap3A_47 = arith.constant 0 : index
    %swap3A_48 = vector.load %arg7[%swap3A, %swap3A_47] : memref<2000x128xf32, #tpu.memory_space<vmem>>, vector<2000x128xf32>
    tpu.vector_store %arg7[%swap3A, %swap3A_47], %slice3A {strides = array<i32>} : memref<2000x128xf32, #tpu.memory_space<vmem>>, vector<2000x128xf32>,
    %slice3A_49 = vector.extract_strided_slice %mul3A_46 {offsets = [0, 128], sizes = [2000, 128], strides = [1, 1]} : vector<2000x256xf32> to vector<2000x128xf32>
    %swap3A_50 = arith.constant 0 : index
    %swap3A_51 = arith.constant 0 : index
    %swap3A_52 = vector.load %arg8[%swap3A_50, %swap3A_51] : memref<2000x128xf32, #tpu.memory_space<vmem>>, vector<2000x128xf32>
    tpu.vector_store %arg8[%swap3A_50, %swap3A_51], %slice3A_49 {strides = array<i32>} : memref<2000x128xf32, #tpu.memory_space<vmem>>, vector<2000x128xf32>,
    return
  }
  func.func @transform_0(%arg0: i32) -> (i32, i32) {
    %c0_i32 = arith.constant 0 : i32
    %c0_i32_0 = arith.constant 0 : i32
    return %arg0, %c0_i32 : i32, i32
  }
  func.func @transform_1(%arg0: i32) -> (i32, i32) {
    %c0_i32 = arith.constant 0 : i32
    %c0_i32_0 = arith.constant 0 : i32
    %c0_i32_1 = arith.constant 0 : i32
    return %c0_i32, %c0_i32_0 : i32, i32
  }
  func.func @transform_2(%arg0: i32) -> (i32, i32) {
    %c0_i32 = arith.constant 0 : i32
    %c0_i32_0 = arith.constant 0 : i32
    %c0_i32_1 = arith.constant 0 : i32
    return %c0_i32, %c0_i32_0 : i32, i32
  }
  func.func @transform_3(%arg0: i32) -> (i32, i32) {
    %c0_i32 = arith.constant 0 : i32
    %c0_i32_0 = arith.constant 0 : i32
    %c0_i32_1 = arith.constant 0 : i32
    return %c0_i32, %c0_i32_0 : i32, i32
  }
  func.func @transform_4(%arg0: i32) -> (i32, i32) {
    %c0_i32 = arith.constant 0 : i32
    %c0_i32_0 = arith.constant 0 : i32
    return %arg0, %c0_i32 : i32, i32
  }
  func.func @transform_5(%arg0: i32) -> (i32, i32) {
    %c0_i32 = arith.constant 0 : i32
    %c0_i32_0 = arith.constant 0 : i32
    return %arg0, %c0_i32 : i32, i32
  }
  func.func @transform_6(%arg0: i32) -> (i32, i32) {
    %c0_i32 = arith.constant 0 : i32
    %c0_i32_0 = arith.constant 0 : i32
    return %arg0, %c0_i32 : i32, i32
  }
  func.func @transform_7(%arg0: i32) -> (i32, i32) {
    %c0_i32 = arith.constant 0 : i32
    %c0_i32_0 = arith.constant 0 : i32
    return %arg0, %c0_i32 : i32, i32
  }
}

module attributes {stable_mosaic.version = 14 : i64} {
  func.func @_tc2_body(%arg0: i32, %arg1: memref<2000x128xf32, #tpu.memory_space<vmem>>, %arg2: memref<2000x128xf32, #tpu.memory_space<vmem>>, %arg3: memref<2000x1xf32, #tpu.memory_space<vmem>>, %arg4: memref<2000x1xf32, #tpu.memory_space<vmem>>, %arg5: memref<1x256xf32, #tpu.memory_space<vmem>>, %arg6: memref<1x256xf32, #tpu.memory_space<vmem>>, %arg7: memref<1x256xf32, #tpu.memory_space<vmem>>, %arg8: memref<1x256xf32, #tpu.memory_space<vmem>>, %arg9: memref<1x256xf32, #tpu.memory_space<vmem>>, %arg10: memref<256x128xf32, #tpu.memory_space<vmem>>, %arg11: memref<2000x128xf32, #tpu.memory_space<vmem>>) attributes {dimension_semantics = [#tpu.dimension_semantics<arbitrary>], iteration_bounds = array<i64: 5>, scalar_prefetch = 0 : i64, scratch_operands = 0 : i64, tpu.core_type = #tpu.core_type<tc>, window_params = [{transform_indices = @transform_0, window_bounds = array<i64: 2000, 128>}, {transform_indices = @transform_1, window_bounds = array<i64: 2000, 128>}, {transform_indices = @transform_2, window_bounds = array<i64: 2000, 1>}, {transform_indices = @transform_3, window_bounds = array<i64: 2000, 1>}, {pipeline_mode = #tpu.pipeline_mode<synchronous>, transform_indices = @transform_4, window_bounds = array<i64: 1, 256>}, {pipeline_mode = #tpu.pipeline_mode<synchronous>, transform_indices = @transform_5, window_bounds = array<i64: 1, 256>}, {pipeline_mode = #tpu.pipeline_mode<synchronous>, transform_indices = @transform_6, window_bounds = array<i64: 1, 256>}, {pipeline_mode = #tpu.pipeline_mode<synchronous>, transform_indices = @transform_7, window_bounds = array<i64: 1, 256>}, {pipeline_mode = #tpu.pipeline_mode<synchronous>, transform_indices = @transform_8, window_bounds = array<i64: 1, 256>}, {pipeline_mode = #tpu.pipeline_mode<synchronous>, transform_indices = @transform_9, window_bounds = array<i64: 256, 128>}, {transform_indices = @transform_10, window_bounds = array<i64: 2000, 128>}]} {
    %get3A = arith.constant 0 : index
    %get3A_0 = arith.constant 0 : index
    %get3A_1 = vector.load %arg3[%get3A, %get3A_0] : memref<2000x1xf32, #tpu.memory_space<vmem>>, vector<2000x1xf32>
    %get3A_2 = arith.constant 0 : index
    %get3A_3 = arith.constant 0 : index
    %get3A_4 = vector.load %arg4[%get3A_2, %get3A_3] : memref<2000x1xf32, #tpu.memory_space<vmem>>, vector<2000x1xf32>
    %add3A = arith.addf %get3A_1, %get3A_4 : vector<2000x1xf32>
    %add3A_5 = arith.constant 1.000000e+00 : f32
    %add3A_6 = vector.broadcast %add3A_5 : f32 to vector<2000x1xf32>
    %add3A_7 = arith.addf %add3A, %add3A_6 : vector<2000x1xf32>
    %rsqrt3A = math.rsqrt %add3A_7 : vector<2000x1xf32>
    %get3A_8 = arith.constant 0 : index
    %get3A_9 = arith.constant 0 : index
    %get3A_10 = vector.load %arg1[%get3A_8, %get3A_9] : memref<2000x128xf32, #tpu.memory_space<vmem>>, vector<2000x128xf32>
    %get3A_11 = arith.constant 0 : index
    %get3A_12 = arith.constant 0 : index
    %get3A_13 = vector.load %arg2[%get3A_11, %get3A_12] : memref<2000x128xf32, #tpu.memory_space<vmem>>, vector<2000x128xf32>
    %concatenate3A = tpu.concatenate %get3A_10, %get3A_13 in 1 : vector<2000x128xf32>, vector<2000x128xf32> -> vector<2000x256xf32>
    %mul3A = vector.broadcast %rsqrt3A : vector<2000x1xf32> to vector<2000x256xf32>
    %mul3A_14 = arith.mulf %concatenate3A, %mul3A : vector<2000x256xf32>
    %get3A_15 = arith.constant 0 : index
    %get3A_16 = arith.constant 0 : index
    %get3A_17 = vector.load %arg5[%get3A_15, %get3A_16] : memref<1x256xf32, #tpu.memory_space<vmem>>, vector<1x256xf32>
    %add3A_18 = vector.broadcast %get3A_17 : vector<1x256xf32> to vector<2000x256xf32>
    %add3A_19 = arith.addf %mul3A_14, %add3A_18 : vector<2000x256xf32>
    %get3A_20 = arith.constant 0 : index
    %get3A_21 = arith.constant 0 : index
    %get3A_22 = vector.load %arg8[%get3A_20, %get3A_21] : memref<1x256xf32, #tpu.memory_space<vmem>>, vector<1x256xf32>
    %sub3A = vector.broadcast %get3A_22 : vector<1x256xf32> to vector<2000x256xf32>
    %sub3A_23 = arith.subf %add3A_19, %sub3A : vector<2000x256xf32>
    %get3A_24 = arith.constant 0 : index
    %get3A_25 = arith.constant 0 : index
    %get3A_26 = vector.load %arg9[%get3A_24, %get3A_25] : memref<1x256xf32, #tpu.memory_space<vmem>>, vector<1x256xf32>
    %add3A_27 = arith.constant 9.99999974E-6 : f32
    %add3A_28 = vector.broadcast %add3A_27 : f32 to vector<1x256xf32>
    %add3A_29 = arith.addf %get3A_26, %add3A_28 : vector<1x256xf32>
    %rsqrt3A_30 = math.rsqrt %add3A_29 : vector<1x256xf32>
    %mul3A_31 = vector.broadcast %rsqrt3A_30 : vector<1x256xf32> to vector<2000x256xf32>
    %mul3A_32 = arith.mulf %sub3A_23, %mul3A_31 : vector<2000x256xf32>
    %get3A_33 = arith.constant 0 : index
    %get3A_34 = arith.constant 0 : index
    %get3A_35 = vector.load %arg6[%get3A_33, %get3A_34] : memref<1x256xf32, #tpu.memory_space<vmem>>, vector<1x256xf32>
    %mul3A_36 = vector.broadcast %get3A_35 : vector<1x256xf32> to vector<2000x256xf32>
    %mul3A_37 = arith.mulf %mul3A_32, %mul3A_36 : vector<2000x256xf32>
    %get3A_38 = arith.constant 0 : index
    %get3A_39 = arith.constant 0 : index
    %get3A_40 = vector.load %arg7[%get3A_38, %get3A_39] : memref<1x256xf32, #tpu.memory_space<vmem>>, vector<1x256xf32>
    %add3A_41 = vector.broadcast %get3A_40 : vector<1x256xf32> to vector<2000x256xf32>
    %add3A_42 = arith.addf %mul3A_37, %add3A_41 : vector<2000x256xf32>
    %max3A = arith.constant 0.000000e+00 : f32
    %max3A_43 = vector.broadcast %max3A : f32 to vector<2000x256xf32>
    %max3A_44 = arith.maximumf %add3A_42, %max3A_43 : vector<2000x256xf32>
    %get3A_45 = arith.constant 0 : index
    %get3A_46 = arith.constant 0 : index
    %get3A_47 = vector.load %arg10[%get3A_45, %get3A_46] : memref<256x128xf32, #tpu.memory_space<vmem>>, vector<256x128xf32>
    %dot_general3A = arith.constant dense<0.000000e+00> : vector<2000x128xf32>
    %dot_general3A_48 = tpu.matmul %max3A_44, %get3A_47, %dot_general3A {dimension_numbers = #tpu.dot_dimension_numbers<[1], [0], [0], [1], [0, 0, 1, 1], [], []>, transpose_lhs_hint = false} : vector<2000x256xf32>, vector<256x128xf32>, vector<2000x128xf32> -> vector<2000x128xf32>
    %mul3A_49 = vector.broadcast %rsqrt3A : vector<2000x1xf32> to vector<2000x128xf32>
    %mul3A_50 = arith.mulf %dot_general3A_48, %mul3A_49 : vector<2000x128xf32>
    %swap3A = arith.constant 0 : index
    %swap3A_51 = arith.constant 0 : index
    %swap3A_52 = vector.load %arg11[%swap3A, %swap3A_51] : memref<2000x128xf32, #tpu.memory_space<vmem>>, vector<2000x128xf32>
    tpu.vector_store %arg11[%swap3A, %swap3A_51], %mul3A_50 {strides = array<i32>} : memref<2000x128xf32, #tpu.memory_space<vmem>>, vector<2000x128xf32>,
    return
  }
  func.func @transform_0(%arg0: i32) -> (i32, i32) {
    %c0_i32 = arith.constant 0 : i32
    %c0_i32_0 = arith.constant 0 : i32
    return %arg0, %c0_i32 : i32, i32
  }
  func.func @transform_1(%arg0: i32) -> (i32, i32) {
    %c0_i32 = arith.constant 0 : i32
    %c0_i32_0 = arith.constant 0 : i32
    return %arg0, %c0_i32 : i32, i32
  }
  func.func @transform_2(%arg0: i32) -> (i32, i32) {
    %c0_i32 = arith.constant 0 : i32
    %c0_i32_0 = arith.constant 0 : i32
    return %arg0, %c0_i32 : i32, i32
  }
  func.func @transform_3(%arg0: i32) -> (i32, i32) {
    %c0_i32 = arith.constant 0 : i32
    %c0_i32_0 = arith.constant 0 : i32
    return %arg0, %c0_i32 : i32, i32
  }
  func.func @transform_4(%arg0: i32) -> (i32, i32) {
    %c0_i32 = arith.constant 0 : i32
    %c0_i32_0 = arith.constant 0 : i32
    %c0_i32_1 = arith.constant 0 : i32
    return %c0_i32, %c0_i32_0 : i32, i32
  }
  func.func @transform_5(%arg0: i32) -> (i32, i32) {
    %c0_i32 = arith.constant 0 : i32
    %c0_i32_0 = arith.constant 0 : i32
    %c0_i32_1 = arith.constant 0 : i32
    return %c0_i32, %c0_i32_0 : i32, i32
  }
  func.func @transform_6(%arg0: i32) -> (i32, i32) {
    %c0_i32 = arith.constant 0 : i32
    %c0_i32_0 = arith.constant 0 : i32
    %c0_i32_1 = arith.constant 0 : i32
    return %c0_i32, %c0_i32_0 : i32, i32
  }
  func.func @transform_7(%arg0: i32) -> (i32, i32) {
    %c0_i32 = arith.constant 0 : i32
    %c0_i32_0 = arith.constant 0 : i32
    %c0_i32_1 = arith.constant 0 : i32
    return %c0_i32, %c0_i32_0 : i32, i32
  }
  func.func @transform_8(%arg0: i32) -> (i32, i32) {
    %c0_i32 = arith.constant 0 : i32
    %c0_i32_0 = arith.constant 0 : i32
    %c0_i32_1 = arith.constant 0 : i32
    return %c0_i32, %c0_i32_0 : i32, i32
  }
  func.func @transform_9(%arg0: i32) -> (i32, i32) {
    %c0_i32 = arith.constant 0 : i32
    %c0_i32_0 = arith.constant 0 : i32
    %c0_i32_1 = arith.constant 0 : i32
    return %c0_i32, %c0_i32_0 : i32, i32
  }
  func.func @transform_10(%arg0: i32) -> (i32, i32) {
    %c0_i32 = arith.constant 0 : i32
    %c0_i32_0 = arith.constant 0 : i32
    return %arg0, %c0_i32 : i32, i32
  }
}

module attributes {stable_mosaic.version = 14 : i64} {
  func.func @_tc3_body(%arg0: i32, %arg1: memref<2000x128xf32, #tpu.memory_space<vmem>>, %arg2: memref<2000x128xf32, #tpu.memory_space<vmem>>, %arg3: memref<2000x1xf32, #tpu.memory_space<vmem>>, %arg4: memref<2000x1xf32, #tpu.memory_space<vmem>>, %arg5: memref<1x128xf32, #tpu.memory_space<vmem>>, %arg6: memref<1x128xf32, #tpu.memory_space<vmem>>, %arg7: memref<1x128xf32, #tpu.memory_space<vmem>>, %arg8: memref<1x128xf32, #tpu.memory_space<vmem>>, %arg9: memref<1x128xf32, #tpu.memory_space<vmem>>, %arg10: memref<128x64xf32, #tpu.memory_space<vmem>>, %arg11: memref<1x64xf32, #tpu.memory_space<vmem>>, %arg12: memref<1x64xf32, #tpu.memory_space<vmem>>, %arg13: memref<1x64xf32, #tpu.memory_space<vmem>>, %arg14: memref<64x8xf32, #tpu.memory_space<vmem>>, %arg15: memref<1x8xf32, #tpu.memory_space<vmem>>, %arg16: memref<2000x8xf32, #tpu.memory_space<vmem>>) attributes {dimension_semantics = [#tpu.dimension_semantics<arbitrary>], iteration_bounds = array<i64: 5>, scalar_prefetch = 0 : i64, scratch_operands = 0 : i64, tpu.core_type = #tpu.core_type<tc>, window_params = [{transform_indices = @transform_0, window_bounds = array<i64: 2000, 128>}, {transform_indices = @transform_1, window_bounds = array<i64: 2000, 128>}, {transform_indices = @transform_2, window_bounds = array<i64: 2000, 1>}, {transform_indices = @transform_3, window_bounds = array<i64: 2000, 1>}, {pipeline_mode = #tpu.pipeline_mode<synchronous>, transform_indices = @transform_4, window_bounds = array<i64: 1, 128>}, {pipeline_mode = #tpu.pipeline_mode<synchronous>, transform_indices = @transform_5, window_bounds = array<i64: 1, 128>}, {pipeline_mode = #tpu.pipeline_mode<synchronous>, transform_indices = @transform_6, window_bounds = array<i64: 1, 128>}, {pipeline_mode = #tpu.pipeline_mode<synchronous>, transform_indices = @transform_7, window_bounds = array<i64: 1, 128>}, {pipeline_mode = #tpu.pipeline_mode<synchronous>, transform_indices = @transform_8, window_bounds = array<i64: 1, 128>}, {pipeline_mode = #tpu.pipeline_mode<synchronous>, transform_indices = @transform_9, window_bounds = array<i64: 128, 64>}, {pipeline_mode = #tpu.pipeline_mode<synchronous>, transform_indices = @transform_10, window_bounds = array<i64: 1, 64>}, {pipeline_mode = #tpu.pipeline_mode<synchronous>, transform_indices = @transform_11, window_bounds = array<i64: 1, 64>}, {pipeline_mode = #tpu.pipeline_mode<synchronous>, transform_indices = @transform_12, window_bounds = array<i64: 1, 64>}, {pipeline_mode = #tpu.pipeline_mode<synchronous>, transform_indices = @transform_13, window_bounds = array<i64: 64, 8>}, {pipeline_mode = #tpu.pipeline_mode<synchronous>, transform_indices = @transform_14, window_bounds = array<i64: 1, 8>}, {transform_indices = @transform_15, window_bounds = array<i64: 2000, 8>}]} {
    %get3A = arith.constant 0 : index
    %get3A_0 = arith.constant 0 : index
    %get3A_1 = vector.load %arg3[%get3A, %get3A_0] : memref<2000x1xf32, #tpu.memory_space<vmem>>, vector<2000x1xf32>
    %get3A_2 = arith.constant 0 : index
    %get3A_3 = arith.constant 0 : index
    %get3A_4 = vector.load %arg4[%get3A_2, %get3A_3] : memref<2000x1xf32, #tpu.memory_space<vmem>>, vector<2000x1xf32>
    %add3A = arith.addf %get3A_1, %get3A_4 : vector<2000x1xf32>
    %add3A_5 = arith.constant 1.000000e+00 : f32
    %add3A_6 = vector.broadcast %add3A_5 : f32 to vector<2000x1xf32>
    %add3A_7 = arith.addf %add3A, %add3A_6 : vector<2000x1xf32>
    %rsqrt3A = math.rsqrt %add3A_7 : vector<2000x1xf32>
    %get3A_8 = arith.constant 0 : index
    %get3A_9 = arith.constant 0 : index
    %get3A_10 = vector.load %arg1[%get3A_8, %get3A_9] : memref<2000x128xf32, #tpu.memory_space<vmem>>, vector<2000x128xf32>
    %get3A_11 = arith.constant 0 : index
    %get3A_12 = arith.constant 0 : index
    %get3A_13 = vector.load %arg2[%get3A_11, %get3A_12] : memref<2000x128xf32, #tpu.memory_space<vmem>>, vector<2000x128xf32>
    %add3A_14 = arith.addf %get3A_10, %get3A_13 : vector<2000x128xf32>
    %mul3A = vector.broadcast %rsqrt3A : vector<2000x1xf32> to vector<2000x128xf32>
    %mul3A_15 = arith.mulf %add3A_14, %mul3A : vector<2000x128xf32>
    %get3A_16 = arith.constant 0 : index
    %get3A_17 = arith.constant 0 : index
    %get3A_18 = vector.load %arg5[%get3A_16, %get3A_17] : memref<1x128xf32, #tpu.memory_space<vmem>>, vector<1x128xf32>
    %add3A_19 = vector.broadcast %get3A_18 : vector<1x128xf32> to vector<2000x128xf32>
    %add3A_20 = arith.addf %mul3A_15, %add3A_19 : vector<2000x128xf32>
    %get3A_21 = arith.constant 0 : index
    %get3A_22 = arith.constant 0 : index
    %get3A_23 = vector.load %arg8[%get3A_21, %get3A_22] : memref<1x128xf32, #tpu.memory_space<vmem>>, vector<1x128xf32>
    %sub3A = vector.broadcast %get3A_23 : vector<1x128xf32> to vector<2000x128xf32>
    %sub3A_24 = arith.subf %add3A_20, %sub3A : vector<2000x128xf32>
    %get3A_25 = arith.constant 0 : index
    %get3A_26 = arith.constant 0 : index
    %get3A_27 = vector.load %arg9[%get3A_25, %get3A_26] : memref<1x128xf32, #tpu.memory_space<vmem>>, vector<1x128xf32>
    %add3A_28 = arith.constant 9.99999974E-6 : f32
    %add3A_29 = vector.broadcast %add3A_28 : f32 to vector<1x128xf32>
    %add3A_30 = arith.addf %get3A_27, %add3A_29 : vector<1x128xf32>
    %rsqrt3A_31 = math.rsqrt %add3A_30 : vector<1x128xf32>
    %mul3A_32 = vector.broadcast %rsqrt3A_31 : vector<1x128xf32> to vector<2000x128xf32>
    %mul3A_33 = arith.mulf %sub3A_24, %mul3A_32 : vector<2000x128xf32>
    %get3A_34 = arith.constant 0 : index
    %get3A_35 = arith.constant 0 : index
    %get3A_36 = vector.load %arg6[%get3A_34, %get3A_35] : memref<1x128xf32, #tpu.memory_space<vmem>>, vector<1x128xf32>
    %mul3A_37 = vector.broadcast %get3A_36 : vector<1x128xf32> to vector<2000x128xf32>
    %mul3A_38 = arith.mulf %mul3A_33, %mul3A_37 : vector<2000x128xf32>
    %get3A_39 = arith.constant 0 : index
    %get3A_40 = arith.constant 0 : index
    %get3A_41 = vector.load %arg7[%get3A_39, %get3A_40] : memref<1x128xf32, #tpu.memory_space<vmem>>, vector<1x128xf32>
    %add3A_42 = vector.broadcast %get3A_41 : vector<1x128xf32> to vector<2000x128xf32>
    %add3A_43 = arith.addf %mul3A_38, %add3A_42 : vector<2000x128xf32>
    %max3A = arith.constant 0.000000e+00 : f32
    %max3A_44 = vector.broadcast %max3A : f32 to vector<2000x128xf32>
    %max3A_45 = arith.maximumf %add3A_43, %max3A_44 : vector<2000x128xf32>
    %get3A_46 = arith.constant 0 : index
    %get3A_47 = arith.constant 0 : index
    %get3A_48 = vector.load %arg10[%get3A_46, %get3A_47] : memref<128x64xf32, #tpu.memory_space<vmem>>, vector<128x64xf32>
    %dot_general3A = arith.constant dense<0.000000e+00> : vector<2000x64xf32>
    %dot_general3A_49 = tpu.matmul %max3A_45, %get3A_48, %dot_general3A {dimension_numbers = #tpu.dot_dimension_numbers<[1], [0], [0], [1], [0, 0, 1, 1], [], []>, transpose_lhs_hint = false} : vector<2000x128xf32>, vector<128x64xf32>, vector<2000x64xf32> -> vector<2000x64xf32>
    %get3A_50 = arith.constant 0 : index
    %get3A_51 = arith.constant 0 : index
    %get3A_52 = vector.load %arg11[%get3A_50, %get3A_51] : memref<1x64xf32, #tpu.memory_space<vmem>>, vector<1x64xf32>
    %add3A_53 = vector.broadcast %get3A_52 : vector<1x64xf32> to vector<2000x64xf32>
    %add3A_54 = arith.addf %dot_general3A_49, %add3A_53 : vector<2000x64xf32>
    %reduce_sum3A = arith.constant dense<0.000000e+00> : vector<2000xf32>
    %reduce_sum3A_55 = vector.multi_reduction <add>, %add3A_54, %reduce_sum3A [1] : vector<2000x64xf32> to vector<2000xf32>
    %broadcast_in_dim3A = vector.shape_cast %reduce_sum3A_55 : vector<2000xf32> to vector<2000x1xf32>
    %div3A = arith.constant 6.400000e+01 : f32
    %div3A_56 = vector.broadcast %div3A : f32 to vector<2000x1xf32>
    %div3A_57 = arith.divf %broadcast_in_dim3A, %div3A_56 : vector<2000x1xf32>
    %sub3A_58 = vector.broadcast %div3A_57 : vector<2000x1xf32> to vector<2000x64xf32>
    %sub3A_59 = arith.subf %add3A_54, %sub3A_58 : vector<2000x64xf32>
    %sub3A_60 = vector.broadcast %div3A_57 : vector<2000x1xf32> to vector<2000x64xf32>
    %sub3A_61 = arith.subf %add3A_54, %sub3A_60 : vector<2000x64xf32>
    %mul3A_62 = arith.mulf %sub3A_59, %sub3A_61 : vector<2000x64xf32>
    %reduce_sum3A_63 = arith.constant dense<0.000000e+00> : vector<2000xf32>
    %reduce_sum3A_64 = vector.multi_reduction <add>, %mul3A_62, %reduce_sum3A_63 [1] : vector<2000x64xf32> to vector<2000xf32>
    %broadcast_in_dim3A_65 = vector.shape_cast %reduce_sum3A_64 : vector<2000xf32> to vector<2000x1xf32>
    %div3A_66 = arith.constant 6.400000e+01 : f32
    %div3A_67 = vector.broadcast %div3A_66 : f32 to vector<2000x1xf32>
    %div3A_68 = arith.divf %broadcast_in_dim3A_65, %div3A_67 : vector<2000x1xf32>
    %sub3A_69 = vector.broadcast %div3A_57 : vector<2000x1xf32> to vector<2000x64xf32>
    %sub3A_70 = arith.subf %add3A_54, %sub3A_69 : vector<2000x64xf32>
    %add3A_71 = arith.constant 9.99999974E-6 : f32
    %add3A_72 = vector.broadcast %add3A_71 : f32 to vector<2000x1xf32>
    %add3A_73 = arith.addf %div3A_68, %add3A_72 : vector<2000x1xf32>
    %rsqrt3A_74 = math.rsqrt %add3A_73 : vector<2000x1xf32>
    %mul3A_75 = vector.broadcast %rsqrt3A_74 : vector<2000x1xf32> to vector<2000x64xf32>
    %mul3A_76 = arith.mulf %sub3A_70, %mul3A_75 : vector<2000x64xf32>
    %get3A_77 = arith.constant 0 : index
    %get3A_78 = arith.constant 0 : index
    %get3A_79 = vector.load %arg12[%get3A_77, %get3A_78] : memref<1x64xf32, #tpu.memory_space<vmem>>, vector<1x64xf32>
    %mul3A_80 = vector.broadcast %get3A_79 : vector<1x64xf32> to vector<2000x64xf32>
    %mul3A_81 = arith.mulf %mul3A_76, %mul3A_80 : vector<2000x64xf32>
    %get3A_82 = arith.constant 0 : index
    %get3A_83 = arith.constant 0 : index
    %get3A_84 = vector.load %arg13[%get3A_82, %get3A_83] : memref<1x64xf32, #tpu.memory_space<vmem>>, vector<1x64xf32>
    %add3A_85 = vector.broadcast %get3A_84 : vector<1x64xf32> to vector<2000x64xf32>
    %add3A_86 = arith.addf %mul3A_81, %add3A_85 : vector<2000x64xf32>
    %max3A_87 = arith.constant 0.000000e+00 : f32
    %max3A_88 = vector.broadcast %max3A_87 : f32 to vector<2000x64xf32>
    %max3A_89 = arith.maximumf %add3A_86, %max3A_88 : vector<2000x64xf32>
    %get3A_90 = arith.constant 0 : index
    %get3A_91 = arith.constant 0 : index
    %get3A_92 = vector.load %arg14[%get3A_90, %get3A_91] : memref<64x8xf32, #tpu.memory_space<vmem>>, vector<64x8xf32>
    %dot_general3A_93 = arith.constant dense<0.000000e+00> : vector<2000x8xf32>
    %dot_general3A_94 = tpu.matmul %max3A_89, %get3A_92, %dot_general3A_93 {dimension_numbers = #tpu.dot_dimension_numbers<[1], [0], [0], [1], [0, 0, 1, 1], [], []>, transpose_lhs_hint = false} : vector<2000x64xf32>, vector<64x8xf32>, vector<2000x8xf32> -> vector<2000x8xf32>
    %get3A_95 = arith.constant 0 : index
    %get3A_96 = arith.constant 0 : index
    %get3A_97 = vector.load %arg15[%get3A_95, %get3A_96] : memref<1x8xf32, #tpu.memory_space<vmem>>, vector<1x8xf32>
    %add3A_98 = vector.broadcast %get3A_97 : vector<1x8xf32> to vector<2000x8xf32>
    %add3A_99 = arith.addf %dot_general3A_94, %add3A_98 : vector<2000x8xf32>
    %swap3A = arith.constant 0 : index
    %swap3A_100 = arith.constant 0 : index
    %swap3A_101 = vector.load %arg16[%swap3A, %swap3A_100] : memref<2000x8xf32, #tpu.memory_space<vmem>>, vector<2000x8xf32>
    tpu.vector_store %arg16[%swap3A, %swap3A_100], %add3A_99 {strides = array<i32>} : memref<2000x8xf32, #tpu.memory_space<vmem>>, vector<2000x8xf32>,
    return
  }
  func.func @transform_0(%arg0: i32) -> (i32, i32) {
    %c0_i32 = arith.constant 0 : i32
    %c0_i32_0 = arith.constant 0 : i32
    return %arg0, %c0_i32 : i32, i32
  }
  func.func @transform_1(%arg0: i32) -> (i32, i32) {
    %c0_i32 = arith.constant 0 : i32
    %c0_i32_0 = arith.constant 0 : i32
    return %arg0, %c0_i32 : i32, i32
  }
  func.func @transform_2(%arg0: i32) -> (i32, i32) {
    %c0_i32 = arith.constant 0 : i32
    %c0_i32_0 = arith.constant 0 : i32
    return %arg0, %c0_i32 : i32, i32
  }
  func.func @transform_3(%arg0: i32) -> (i32, i32) {
    %c0_i32 = arith.constant 0 : i32
    %c0_i32_0 = arith.constant 0 : i32
    return %arg0, %c0_i32 : i32, i32
  }
  func.func @transform_4(%arg0: i32) -> (i32, i32) {
    %c0_i32 = arith.constant 0 : i32
    %c0_i32_0 = arith.constant 0 : i32
    %c0_i32_1 = arith.constant 0 : i32
    return %c0_i32, %c0_i32_0 : i32, i32
  }
  func.func @transform_5(%arg0: i32) -> (i32, i32) {
    %c0_i32 = arith.constant 0 : i32
    %c0_i32_0 = arith.constant 0 : i32
    %c0_i32_1 = arith.constant 0 : i32
    return %c0_i32, %c0_i32_0 : i32, i32
  }
  func.func @transform_6(%arg0: i32) -> (i32, i32) {
    %c0_i32 = arith.constant 0 : i32
    %c0_i32_0 = arith.constant 0 : i32
    %c0_i32_1 = arith.constant 0 : i32
    return %c0_i32, %c0_i32_0 : i32, i32
  }
  func.func @transform_7(%arg0: i32) -> (i32, i32) {
    %c0_i32 = arith.constant 0 : i32
    %c0_i32_0 = arith.constant 0 : i32
    %c0_i32_1 = arith.constant 0 : i32
    return %c0_i32, %c0_i32_0 : i32, i32
  }
  func.func @transform_8(%arg0: i32) -> (i32, i32) {
    %c0_i32 = arith.constant 0 : i32
    %c0_i32_0 = arith.constant 0 : i32
    %c0_i32_1 = arith.constant 0 : i32
    return %c0_i32, %c0_i32_0 : i32, i32
  }
  func.func @transform_9(%arg0: i32) -> (i32, i32) {
    %c0_i32 = arith.constant 0 : i32
    %c0_i32_0 = arith.constant 0 : i32
    %c0_i32_1 = arith.constant 0 : i32
    return %c0_i32, %c0_i32_0 : i32, i32
  }
  func.func @transform_10(%arg0: i32) -> (i32, i32) {
    %c0_i32 = arith.constant 0 : i32
    %c0_i32_0 = arith.constant 0 : i32
    %c0_i32_1 = arith.constant 0 : i32
    return %c0_i32, %c0_i32_0 : i32, i32
  }
  func.func @transform_11(%arg0: i32) -> (i32, i32) {
    %c0_i32 = arith.constant 0 : i32
    %c0_i32_0 = arith.constant 0 : i32
    %c0_i32_1 = arith.constant 0 : i32
    return %c0_i32, %c0_i32_0 : i32, i32
  }
  func.func @transform_12(%arg0: i32) -> (i32, i32) {
    %c0_i32 = arith.constant 0 : i32
    %c0_i32_0 = arith.constant 0 : i32
    %c0_i32_1 = arith.constant 0 : i32
    return %c0_i32, %c0_i32_0 : i32, i32
  }
  func.func @transform_13(%arg0: i32) -> (i32, i32) {
    %c0_i32 = arith.constant 0 : i32
    %c0_i32_0 = arith.constant 0 : i32
    %c0_i32_1 = arith.constant 0 : i32
    return %c0_i32, %c0_i32_0 : i32, i32
  }
  func.func @transform_14(%arg0: i32) -> (i32, i32) {
    %c0_i32 = arith.constant 0 : i32
    %c0_i32_0 = arith.constant 0 : i32
    %c0_i32_1 = arith.constant 0 : i32
    return %c0_i32, %c0_i32_0 : i32, i32
  }
  func.func @transform_15(%arg0: i32) -> (i32, i32) {
    %c0_i32 = arith.constant 0 : i32
    %c0_i32_0 = arith.constant 0 : i32
    return %arg0, %c0_i32 : i32, i32
  }
}

</mosaic_0001>

<sc_bundles>
// kernel: kernel.11.cloned.1.call-start
scs
__scs_entry_jumppad:
0x0: {  	(pc) =	sbr.rel $0x88, $3  }
0x1: {  	(tag) =	ssettag $0x0;
	lr =	simm.s32 $0x1  }
0x2: {  	[smem:$0x3F8B] =	sst lr;
	_ =	strace $0xD0000000  }
0x3: {  	_ = 	snop  }
0x4: {  	_ = 	snop  }
0x5: {  	_ = 	snop  }
0x6: {  	_ = 	snop  }
0x7: {  	_ = 	snop  }
__scs_overlays_trampoline_lowered:
0x8: {  	[smem:$0x3F9A] =	sst s0  }
0x9: {  	[smem:$0x3F9B] =	sst s1  }
0xa: {  	[smem:$0x3F9C] =	sst s2  }
0xb: {  	[smem:$0x3F9D] =	sst s3  }
0xc: {  	[smem:$0x3F9E] =	sst s4  }
0xd: {  	[smem:$0x3F9F] =	sst s5  }
0xe: {  	[smem:$0x3FA0] =	sst s6  }
0xf: {  	[smem:$0x3FA1] =	sst s7  }
0x10: {  	[smem:$0x3FA2] =	sst s8  }
0x11: {  	[smem:$0x3FA3] =	sst s9;
	s0 =	simm.s32 @!p0 $0x0  }
0x12: {  	s1 =	sld [smem:$0x3F89];
	s0 =	simm.s32 @p0 $0x1  }
0x13: {  	[smem:$0x3FA4] =	sst s0;
	s0 =	simm.s32 @!p1 $0x0  }
0x14: {  	s2 =	sld [smem:$0x3F88];
	s0 =	simm.s32 @p1 $0x1  }
0x15: {  	[smem:$0x3FA5] =	sst s0;
	s0 =	simm.s32 @!p2 $0x0  }
0x16: {  	s3 =	sld [smem:$0x3FDB];
	s0 =	simm.s32 @p2 $0x1  }
0x17: {  	s4 =	simm.s32 $0x1BF5;
	[smem:$0x3FA7] =	sst s0  }
0x18: {  	s0 =	sld [smem:$0x3F8A];
	_ =	swait.ge [sflag:s4], $0x0  }
0x19: {  	s7 =	sld [smem:$0x3F8B]  }
0x1a: {  	s8 =	sadd.s32 $0xFFFFE003, lr  }
0x1b: {  	s9 =	sadd.s32 $0xFFFFFEF7, lr;
	s5 =	simm.s32 $0xFFFFFFFF;
	p2 =	slt.u32 s8, $0xFFFFF086  }
0x1c: {  	p1 =	slt.u32 s9, $0xF7A;
	s5 =	simm.s32 @!p2 $0x0  }
0x1d: {  	s5 =	simm.s32 @p1 $0x1;
	p0 =	seq.s32 s7, s2  }
0x1e: {  	s7 =	smul.u32 @!p0 $0xF7A, s2;
	p2 =	seq.s32 @!p0 s5, $0x0  }
0x1f: {  	s9 =	smul.u32 $0xF7A, s1;
	s8 =	simm.s32 @!p0 $0x1BF5;
	p2 =	por !p2, p0  }
0x20: {  	[sflag:s8] =	ssyncset.s32 @!p0 $0xFFFFF086;
	s6 =	sadd.s32 @!p0 s3, s7;
	s7 =	simm.s32 @!p0 $0x108  }
0x21: {  	s3 =	sadd.s32 s3, s9;
	s6 =	sadd.s32 @!p0 $0x88, s6;
	s7 =	simm.s32 @p2 $0x1082  }
0x22: {  	[simem:s7], [sflag:s8] =	dma.local @!p0 [hbm:s6], $0xF7A  }
0x23: {  	s9 =	sor.u32 $0xD0000000, s2;
	s6 =	simm.s32 $0x108;
	_ =	swait.ge @!p0 [sflag:s8], $0x0  }
0x24: {  	s3 =	sadd.s32 $0x88, s3;
	s6 =	simm.s32 @!p1 $0x1082;
	[sflag:s4] =	ssyncset.s32 $0xFFFFF086  }
0x25: {  	[simem:s6], [sflag:s4] =	dma.local [hbm:s3], $0xF7A  }
0x26: {  	[smem:$0x3F8B] =	sst s1;
	(tag) =	ssettag s2;
	_ =	strace s9  }
0x27: {  	s1 =	sld [smem:$0x3F9B]  }
0x28: {  	s2 =	sld [smem:$0x3F9C]  }
0x29: {  	s4 =	sld [smem:$0x3F9E]  }
0x2a: {  	p0 =	seq.s32 s5, $0x0;
	s5 =	sld [smem:$0x3F9F]  }
0x2b: {  	s6 =	sld [smem:$0x3FA0]  }
0x2c: {  	s7 =	sld [smem:$0x3FA1]  }
0x2d: {  	s3 =	simm.s32 $0x108;
	s8 =	sld [smem:$0x3FA2]  }
0x2e: {  	s3 =	simm.s32 @!p0 $0x1082;
	s9 =	sld [smem:$0x3FA3]  }
0x2f: {  	lr =	sadd.s32 s0, s3;
	s0 =	sld [smem:$0x3F9A]  }
0x30: {  	s3 =	sld [smem:$0x3F9D]  }
0x31: {  	[smem:$0x3FA6] =	sst s10  }
0x32: {  	s10 =	sld [smem:$0x3FA4];
	_ =	sdelay $0x3  }
0x33: {  	p0 =	seq.s32 s10, $0x1;
	s10 =	sld [smem:$0x3FA6];
	_ =	sdelay $0x3  }
0x34: {  	[smem:$0x3FA6] =	sst s10  }
0x35: {  	s10 =	sld [smem:$0x3FA5];
	_ =	sdelay $0x3  }
0x36: {  	p1 =	seq.s32 s10, $0x1;
	s10 =	sld [smem:$0x3FA6];
	_ =	sdelay $0x3  }
0x37: {  	[smem:$0x3FA6] =	sst s10  }
0x38: {  	s10 =	sld [smem:$0x3FA7]  }
0x39: {  	_ = 	snop;
	(pc) =	sbr.ind lr, $3  }
0x3a: {  	_ = 	snop  }
0x3b: {  	_ = 	snop  }
0x3c: {  	p2 =	seq.s32 s10, $0x1;
	s10 =	sld [smem:$0x3FA6]  }
0x3d: {  	_ =	shalt  }
0x3e: {  	_ =	shalt  }
0x3f: {  	_ =	shalt  }
0x40: {  	_ =	shalt  }
0x41: {  	_ =	shalt  }
0x42: {  	_ =	shalt  }
0x43: {  	_ =	shalt  }
0x44: {  	_ =	shalt  }
0x45: {  	_ =	shalt  }
0x46: {  	_ =	shalt  }
0x47: {  	_ =	shalt  }
0x48: {  	_ =	shalt  }
0x49: {  	_ =	shalt  }
0x4a: {  	_ =	shalt  }
0x4b: {  	_ =	shalt  }
0x4c: {  	_ =	shalt  }
0x4d: {  	_ =	shalt  }
0x4e: {  	_ =	shalt  }
0x4f: {  	_ =	shalt  }
0x50: {  	_ =	shalt  }
0x51: {  	_ =	shalt  }
0x52: {  	_ =	shalt  }
0x53: {  	_ =	shalt  }
0x54: {  	_ =	shalt  }
0x55: {  	_ =	shalt  }
0x56: {  	_ =	shalt  }
0x57: {  	_ =	shalt  }
0x58: {  	_ =	shalt  }
0x59: {  	_ =	shalt  }
0x5a: {  	_ =	shalt  }
0x5b: {  	_ =	shalt  }
0x5c: {  	_ =	shalt  }
0x5d: {  	_ =	shalt  }
0x5e: {  	_ =	shalt  }
0x5f: {  	_ =	shalt  }
0x60: {  	_ =	shalt  }
0x61: {  	_ =	shalt  }
0x62: {  	_ =	shalt  }
0x63: {  	_ =	shalt  }
0x64: {  	_ =	shalt  }
0x65: {  	_ =	shalt  }
0x66: {  	_ =	shalt  }
0x67: {  	_ =	shalt  }
0x68: {  	_ =	shalt  }
0x69: {  	_ =	shalt  }
0x6a: {  	_ =	shalt  }
0x6b: {  	_ =	shalt  }
0x6c: {  	_ =	shalt  }
0x6d: {  	_ =	shalt  }
0x6e: {  	_ =	shalt  }
0x6f: {  	_ =	shalt  }
0x70: {  	_ =	shalt  }
0x71: {  	_ =	shalt  }
0x72: {  	_ =	shalt  }
0x73: {  	_ =	shalt  }
0x74: {  	_ =	shalt  }
0x75: {  	_ =	shalt  }
0x76: {  	_ =	shalt  }
0x77: {  	_ =	shalt  }
0x78: {  	_ =	shalt  }
0x79: {  	_ =	shalt  }
0x7a: {  	_ =	shalt  }
0x7b: {  	_ =	shalt  }
0x7c: {  	_ =	shalt  }
0x7d: {  	_ =	shalt  }
0x7e: {  	_ =	shalt  }
0x7f: {  	_ =	shalt  }
0x80: {  	_ =	shalt  }
0x81: {  	_ =	shalt  }
0x82: {  	_ =	shalt  }
0x83: {  	_ =	shalt  }
0x84: {  	_ =	shalt  }
0x85: {  	_ =	shalt  }
0x86: {  	_ =	shalt  }
0x87: {  	_ =	shalt  }
.Lfunc_end0:
.L_simem_size_0:
called_computation.1_lowered:
.L_overlay_start_0:
0x88: {  	s2 =	sld [smem:$0x3FD9]  }
0x89: {  	s3 =	sld [smem:$0x3FFE];
	_ =	sdelay $0x1  }
0x8a: {  	s1 =	srdreg.scid  }
0x8b: {  	s0 =	sand.u32 $0x1, s1  }
0x8c: {  	s16 =	sshll.u32 s0, $0xA;
	s2 =	sadd.s32 s3, s2  }
0x8d: {  	s2 =	sadd.s32 s2, s16  }
0x8e: {  	[smem:$0x3FB2] =	sst s2  }
0x8f: {  	_ = 	snop  }
0x90: {  	(tm) =	ssettm $0x1  }
0x91: {  	s17 =	sld [smem:$0x3FFB];
	_ =	sdelay $0x3  }
0x92: {  	_ =	strace s17  }
0x93: {  	s2 =	sld [smem:$0x3FFC];
	_ =	sdelay $0x3  }
0x94: {  	_ =	strace s2  }
0x95: {  	s2 =	sld [smem:$0x3FFD];
	_ =	sdelay $0x3  }
0x96: {  	_ =	strace s2  }
0x97: {  	_ =	strace $0x8FFFFFFF  }
0x98: {  	s18 =	sld [smem:$0x3FDB];
	_ =	sdelay $0x1  }
0x99: {  	s19 =	simm.s32 $_scs_section_size  }
0x9a: {  	s4 =	simm.s32 $_size__tile_overlayer_lowered;
	s5 =	simm.s32 $_tile_overlayer_lowered  }
0x9b: {  	s22 =	simm.s32 $0x1BFF;
	s21 =	sshll.u32 s5, $0x1;
	s2 =	sadd.s32 s19, s18  }
0x9c: {  	s6 =	simm.s32 $0x0;
	s20 =	sshll.u32 s4, $0x1;
	s4 =	sadd.s32 s21, s2  }
0x9d: {  	[timem:s6], [sflag:s22] =	dma.local [hbm:s4], s20  }
0x9e: {  	_ =	swait.ge [sflag:s22], s20  }
0x9f: {  	s3 =	ssub.s32 $0x0, s20;
	[sflag:s22] =	ssyncset.done $0x0  }
0xa0: {  	[sflag:s22] =	ssyncadd.s32 s3;
	_ =	sdelay $0x1  }
0xa1: {  	s23 =	simm.s32 $0x1B8B  }
0xa2: {  	_ =	swait.ge [sflag:s23], $0x1  }
0xa3: {  	[sflag:s23] =	ssyncset.done $0x0  }
0xa4: {  	s25 =	simm.s32 $0x1B8E;
	s24 =	sld [smem:$0x3FFE];
	[sflag:s23] =	ssyncadd.s32 $0xFFFFFFFF  }
0xa5: {  	s26 =	simm.s32 $execute0_lowered;
	[smem:$0x3FD2] =	sst s25  }
0xa6: {  	s4 =	sshll.u32 s26, $0x1;
	_ =	strace $0x80000049;
	[dreg:$0x1] =	wrdreg $0xFFFFFFFF  }
0xa7: {  	s28 =	simm.s32 $_size_execute0_lowered;
	s2 =	sadd.s32 s2, s4;
	[dreg:$0x0] =	wrdreg $0x0  }
0xa8: {  	s4 =	sshll.u32 s28, $0x1;
	[dreg:$0x2] =	wrdreg s2  }
0xa9: {  	[dreg:$0x3] =	wrdreg s4  }
0xaa: {  	[dreg:$0x4] =	wrdreg $0xC0  }
0xab: {  	_ =	task [dreg:s6], $0x5FFFF  }
0xac: {  	[dreg:$0x1] =	wrdreg $0xFFFFFFFF  }
0xad: {  	[dreg:$0x0] =	wrdreg $0x60  }
0xae: {  	[dreg:$0x2] =	wrdreg s24  }
0xaf: {  	[dreg:$0x3] =	wrdreg $0x0  }
0xb0: {  	[dreg:$0x4] =	wrdreg $0x9  }
0xb1: {  	_ =	task.clear_ibuf [dreg:s6], $0x5FFFF;
	_ =	strace $0x90000049  }
0xb2: {  	s29 =	simm.s32 $0x9;
	_ =	strace $0x8000004B  }
0xb3: {  	_ =	swait.ge [sflag:s29], $0x1  }
0xb4: {  	[sflag:s29] =	ssyncadd.s32 $0xFFFFFFFF  }
0xb5: {  	_ =	strace $0x9000004B  }
0xb6: {  	_ =	sfence  }
0xb7: {  	s30 =	sld [smem:$0x0];
	_ =	sdelay $0x2  }
0xb8: {  	s31 =	sshll.u32 s1, $0xD;
	s1 =	sshrl.u32 s1, $0x2  }
0xb9: {  	s3 =	sand.u32 $0x4000, s31;
	s1 =	sadd.s32 s1, s30  }
0xba: {  	s0 =	sor.u32 s3, s0;
	s1 =	sshll.u32 s1, $0x11  }
0xbb: {  	s0 =	sor.u32 s1, s0  }
0xbc: {  	s0 =	sadd.s32 $0x8F2B, s0  }
0xbd: {  	[sflag:s0] =	ssyncadd.remote.s32 $0x1  }
0xbe: {  	_ =	sfence.sel $0xFFFF  }
0xbf: {  	[dreg:$0x0] =	wrdreg $0xFFFFFFFF;
	(pc) =	sbr.abs _section_cstart, $3  }
0xc0: {  	[dreg:$0x1] =	wrdreg $0xFFFFFFFF  }
0xc1: {  	_ =	task.clear_ibuf [dreg:s6], $0x2FFFF;
	_ =	strace $0x9FFFFFFF  }
0xc2: {  	(tm) =	ssettm $0x7FFFFFFF  }
0xc3: {  	_ =	shalt  }
tec
execute0_lowered:
.L_overlay_start_1:
0x0: {  	(tag) =	ssettag $0x1  }
0x1: {  	s0 =	rddreg [dreg:$0x0]  }
0x2: {  	s1 =	rddreg [dreg:$0x1];
	s2 =	simm.s32 $0x0;
	s3 =	srdreg.scid  }
0x3: {  	s12 =	stileid.u32;
	[smem:$0x7FF] =	sst s2  }
0x4: {  	s4 =	sadd.s32 $0x46800, s0;
	s3 =	sand.u32 $0x1, s3;
	s11 =	smul.u32 $0x50000, s12  }
0x5: {  	s5 =	sadd.s32 $0x6E800, s0;
	s6 =	sshll.u32 s12, $0xB;
	s13 =	smul.u32 $0x280, s12  }
0x6: {  	s10 =	sadd.s32 $0x96800, s0;
	s15 =	smul.u32 $0x2800, s12;
	_ =	strace $0x8000004A  }
0x7: {  	s7 =	ssub.s32 $0x2, s3;
	s8 =	sadd.s32 s6, s0;
	s0 =	sadd.s32 $0xBE800, s0  }
0x8: {  	p0 =	seq.s32 s3, $0x1;
	s21 =	sshrl.u32 s7, $0x1;
	s6 =	sadd.s32 $0xE800, s8  }
0x9: {  	s22 =	sshrl.u32 s11, $0x2;
	s23 =	sadd.s32 $0x80, s13;
	s24 =	sadd.s32 s4, s15  }
0xa: {  	s14 =	sadd.s32 $0x100, s13;
	s16 =	sadd.s32 $0x180, s13;
	s17 =	sadd.s32 $0x200, s13  }
0xb: {  	s19 =	sadd.s32 s10, s15;
	s9 =	ssub.s32 s7, s21;
	s7 =	sadd.s32 $0x16800, s8  }
0xc: {  	[dreg:$0x3] =	wrdreg s24;
	s25 =	sshll.u32 s23, $0x7;
	s3 =	sshll.u32 s23, $0x4  }
0xd: {  	s26 =	sshll.u32 s14, $0x7;
	s18 =	sshll.u32 s14, $0x4;
	s28 =	sshll.u32 s16, $0x7  }
0xe: {  	s29 =	sshll.u32 s17, $0x7;
	[dreg:$0x4] =	wrdreg s19;
	s21 =	sadd.s32 s5, s15  }
0xf: {  	s16 =	sshll.u32 s16, $0x4;
	s30 =	sadd.s32 s10, s3;
	[dreg:$0x9] =	wrdreg s21  }
0x10: {  	s17 =	sshll.u32 s17, $0x4;
	s31 =	sadd.s32 s10, s18;
	[dreg:$0x5] =	wrdreg s30  }
0x11: {  	s19 =	simm.s32 $0x1C000;
	s20 =	sadd.s32 s10, s16;
	[dreg:$0x6] =	wrdreg s31  }
0x12: {  	s8 =	smax.u32 s9, $0x1;
	s10 =	sadd.s32 s10, s17;
	[dreg:$0x7] =	wrdreg s20  }
0x13: {  	s9 =	sadd.s32 s22, s1;
	s22 =	sadd.s32 s0, s15;
	[dreg:$0x8] =	wrdreg s10  }
0x14: {  	s11 =	sadd.s32 s25, s1;
	s23 =	sadd.s32 s4, s3;
	[dreg:$0xa] =	wrdreg s22  }
0x15: {  	s12 =	sadd.s32 s26, s1;
	s24 =	sadd.s32 s5, s3;
	[dreg:$0xb] =	wrdreg s23  }
0x16: {  	s13 =	sadd.s32 s28, s1;
	s3 =	sadd.s32 s0, s3;
	[dreg:$0xc] =	wrdreg s24  }
0x17: {  	s14 =	sadd.s32 s29, s1;
	s25 =	sadd.s32 s4, s18;
	[dreg:$0xd] =	wrdreg s3  }
0x18: {  	s26 =	sadd.s32 s5, s18;
	s28 =	sadd.s32 s0, s18;
	[dreg:$0xe] =	wrdreg s25  }
0x19: {  	s29 =	sadd.s32 s4, s16;
	s15 =	simm.s32 $0x14000;
	[dreg:$0xf] =	wrdreg s26  }
.Ltmp0:
0x1a: {  	s18 =	simm.s32 $0x50;
	[dreg:$0x10] =	wrdreg s28;
	(pc) =	sbr.rel .LBB2_1-.Ltmp0, $4  }
0x1b: {  	s21 =	simm.s32 $0x0;
	[dreg:$0x11] =	wrdreg s29;
	s30 =	sadd.s32 s5, s16  }
0x1c: {  	s31 =	sadd.s32 s0, s16;
	s0 =	sadd.s32 s0, s17;
	[dreg:$0x12] =	wrdreg s30  }
0x1d: {  	s10 =	sadd.s32 s4, s17;
	s3 =	sadd.s32 s5, s17;
	[dreg:$0x13] =	wrdreg s31  }
0x1e: {  	s16 =	simm.s32 $0x2;
	s20 =	simm.s32 $0x1;
	[dreg:$0x14] =	wrdreg s0  }
.LBB2_7:
0x1f: {  	s0 =	sor.u32 $0x14000, s30;
	[sflag:s16] =	ssyncadd.s32 $0xFFFFD800  }
0x20: {  	[tilespmem:s19], [sflag:$0x1] =	stream.indirect.gather [hbm4b:s5+s18], $0x80, s0, s18, $0xb8;
	[tilespmem:$0x1E800] =	vst v63  }
0x21: {  	_ =	swait.ge [sflag:s20], $0x2800  }
0x22: {  	[sflag:s20] =	ssyncset.done $0x0  }
0x23: {  	[sflag:s20] =	ssyncadd.s32 $0xFFFFD800  }
0x24: {  	[spmem:s1] =	stream.indirect.scatter.add.f32 [tilespmem:s19], [sflag:$0x2], $0x80, s17, s18, $0xb8;
	[tilespmem:$0x1E800] =	vst v63  }
0x25: {  	_ =	swait.ge [sflag:s16], $0x2800  }
0x26: {  	[sflag:s16] =	ssyncset.done $0x0  }
0x27: {  	[sflag:s16] =	ssyncadd.s32 $0xFFFFD800  }
0x28: {  	[bflag:$0x0] =	sbarrier.arrive $0xFFFF  }
0x29: {  	s17 =	rddreg [dreg:$0xa]  }
0x2a: {  	[hbm:s17], [sflag:s22] =	dma.local [spmem:s23], $0x800  }
0x2b: {  	_ =	swait.ge [sflag:s16], $0x800  }
0x2c: {  	[sflag:s16] =	ssyncset.done $0x0  }
0x2d: {  	s23 =	rddreg [dreg:$0xd];
	[sflag:s16] =	ssyncadd.s32 $0xFFFFF800  }
0x2e: {  	[hbm:s23], [sflag:s22] =	dma.local [spmem:s24], $0x800  }
0x2f: {  	_ =	swait.ge [sflag:s16], $0x800  }
0x30: {  	[sflag:s16] =	ssyncset.done $0x0  }
0x31: {  	s29 =	rddreg [dreg:$0x10];
	[sflag:s16] =	ssyncadd.s32 $0xFFFFF800  }
0x32: {  	[hbm:s29], [sflag:s22] =	dma.local [spmem:s25], $0x800  }
0x33: {  	_ =	swait.ge [sflag:s16], $0x800  }
0x34: {  	[sflag:s16] =	ssyncset.done $0x0  }
0x35: {  	s30 =	rddreg [dreg:$0x13];
	[sflag:s16] =	ssyncadd.s32 $0xFFFFF800  }
0x36: {  	[hbm:s30], [sflag:s22] =	dma.local [spmem:s26], $0x800  }
0x37: {  	_ =	swait.ge [sflag:s16], $0x800  }
0x38: {  	[sflag:s16] =	ssyncset.done $0x0  }
0x39: {  	s31 =	rddreg [dreg:$0x14];
	[sflag:s16] =	ssyncadd.s32 $0xFFFFF800  }
0x3a: {  	[hbm:s31], [sflag:s22] =	dma.local [spmem:s28], $0x800  }
.LBB2_8:
0x3b: {  	s21 =	sadd.s32 $0x1, s21  }
0x3c: {  	p1 =	sne.s32 s21, s8  }
.Ltmp1:
0x3d: {  	_ = 	snop;
	(pc) =	sbr.rel @!p1 .LBB2_9-.Ltmp1, $4  }
0x3e: {  	_ = 	snop  }
0x3f: {  	_ =	swait.ge [sflag:s16], $0x800  }
0x40: {  	[sflag:s16] =	ssyncset.done $0x0  }
0x41: {  	[sflag:s16] =	ssyncadd.s32 $0xFFFFF800  }
.LBB2_1:
0x42: {  	[tilespmem:s15], [sflag:$0x2] =	stream.linear.gather [hbm4b:s6+s2], $0x3F00, $0x38;
	[tilespmem:$0x1E800] =	vst v63  }
0x43: {  	_ =	swait.ge [sflag:s16], $0x3F00  }
0x44: {  	[sflag:s16] =	ssyncset.done $0x0  }
.Ltmp2:
0x45: {  	s0 =	simm.s32 $0x18000;
	[sflag:s16] =	ssyncadd.s32 $0xFFFFC100;
	(pc) =	sbr.rel @!p0 .LBB2_2-.Ltmp2, $4  }
0x46: {  	[tilespmem:s0], [sflag:$0x2] =	stream.linear.gather [hbm4b:s7+s2], $0x3F00, $0x38;
	[tilespmem:$0x1E800] =	vst v63  }
0x47: {  	s31 =	stileid.u32;
	_ =	swait.ge [sflag:s16], $0x3F00  }
0x48: {  	s17 =	sshll.u32 s31, $0x6;
	[sflag:s16] =	ssyncset.done $0x0  }
0x49: {  	s23 =	sshrl.u32 s9, $0x3;
	s22 =	sor.u32 $0x1C02, s17;
	[sflag:s16] =	ssyncadd.s32 $0xFFFFC100  }
0x4a: {  	s0 =	rddreg [dreg:$0x9]  }
0x4b: {  	[spmem:s23], [sflag:s22] =	dma.local [hbm:s0], $0x800  }
0x4c: {  	_ =	swait.ge [sflag:s16], $0x800  }
0x4d: {  	[sflag:s16] =	ssyncset.done $0x0  }
0x4e: {  	s24 =	sshrl.u32 s11, $0x3;
	s26 =	rddreg [dreg:$0xc];
	[sflag:s16] =	ssyncadd.s32 $0xFFFFF800  }
0x4f: {  	[spmem:s24], [sflag:s22] =	dma.local [hbm:s26], $0x800  }
0x50: {  	_ =	swait.ge [sflag:s16], $0x800  }
0x51: {  	[sflag:s16] =	ssyncset.done $0x0  }
0x52: {  	s25 =	sshrl.u32 s12, $0x3;
	s31 =	rddreg [dreg:$0xf];
	[sflag:s16] =	ssyncadd.s32 $0xFFFFF800  }
0x53: {  	[spmem:s25], [sflag:s22] =	dma.local [hbm:s31], $0x800  }
0x54: {  	_ =	swait.ge [sflag:s16], $0x800  }
0x55: {  	[sflag:s16] =	ssyncset.done $0x0  }
0x56: {  	s26 =	sshrl.u32 s13, $0x3;
	s17 =	rddreg [dreg:$0x12];
	[sflag:s16] =	ssyncadd.s32 $0xFFFFF800  }
0x57: {  	[spmem:s26], [sflag:s22] =	dma.local [hbm:s17], $0x800  }
0x58: {  	_ =	swait.ge [sflag:s16], $0x800  }
0x59: {  	[sflag:s16] =	ssyncset.done $0x0  }
0x5a: {  	s28 =	sshrl.u32 s14, $0x3;
	[sflag:s16] =	ssyncadd.s32 $0xFFFFF800  }
0x5b: {  	[spmem:s28], [sflag:s22] =	dma.local [hbm:s3], $0x800  }
0x5c: {  	_ =	swait.ge [sflag:s16], $0x800  }
0x5d: {  	[sflag:s16] =	ssyncset.done $0x0  }
0x5e: {  	[sflag:s16] =	ssyncadd.s32 $0xFFFFF800  }
0x5f: {  	s31 =	simm.s32 $0x1;
	[bflag:$0x0] =	sbarrier.arrive $0xFFFF  }
0x60: {  	[tilespmem:s19], [sflag:$0x1] =	stream.indirect.gather [hbm4b:s5+s18], $0x80, s15, s18, $0xb8;
	[tilespmem:$0x1E800] =	vst v63  }
0x61: {  	_ =	swait.ge [sflag:s31], $0x2800  }
0x62: {  	[sflag:s31] =	ssyncset.done $0x0  }
0x63: {  	s17 =	simm.s32 $0x18000;
	[sflag:s31] =	ssyncadd.s32 $0xFFFFD800  }
0x64: {  	[spmem:s1] =	stream.indirect.scatter.add.f32 [tilespmem:s19], [sflag:$0x2], $0x80, s17, s18, $0xb8;
	[tilespmem:$0x1E800] =	vst v63  }
0x65: {  	s0 =	smin.u32 s31, $0x7D;
	_ =	swait.ge [sflag:s16], $0x2800  }
0x66: {  	s0 =	sshll.u32 s0, $0x7;
	[sflag:s16] =	ssyncset.done $0x0  }
0x67: {  	s0 =	sor.u32 $0x14000, s0;
	[sflag:s16] =	ssyncadd.s32 $0xFFFFD800  }
0x68: {  	[tilespmem:s19], [sflag:$0x1] =	stream.indirect.gather [hbm4b:s5+s18], $0x80, s0, s18, $0xb8;
	[tilespmem:$0x1E800] =	vst v63  }
0x69: {  	_ =	swait.ge [sflag:s20], $0x2800  }
0x6a: {  	[sflag:s20] =	ssyncset.done $0x0  }
0x6b: {  	s31 =	simm.s32 $0x2;
	[sflag:s20] =	ssyncadd.s32 $0xFFFFD800  }
0x6c: {  	[spmem:s1] =	stream.indirect.scatter.add.f32 [tilespmem:s19], [sflag:$0x2], $0x80, s17, s18, $0xb8;
	[tilespmem:$0x1E800] =	vst v63  }
0x6d: {  	s29 =	simm.s32 $0x3;
	s0 =	smin.u32 s31, $0x7D;
	_ =	swait.ge [sflag:s16], $0x2800  }
0x6e: {  	s30 =	sshll.u32 s0, $0x7;
	s17 =	simm.s32 $0x18080;
	[sflag:s16] =	ssyncset.done $0x0  }
.LBB2_6:
0x6f: {  	s0 =	sor.u32 $0x14000, s30  }
0x70: {  	[sflag:s16] =	ssyncadd.s32 $0xFFFFD800;
	s30 =	smov.u32 s29;
	s31 =	sadd.s32 $0x1, s29  }
0x71: {  	[tilespmem:s19], [sflag:$0x1] =	stream.indirect.gather [hbm4b:s5+s18], $0x80, s0, s18, $0xb8;
	[tilespmem:$0x1E800] =	vst v63  }
0x72: {  	p1 =	sne.s32 s29, $0x7E;
	_ =	swait.ge [sflag:s20], $0x2800  }
.Ltmp3:
0x73: {  	[sflag:s20] =	ssyncset.done $0x0;
	(pc) =	sbr.rel @p1 .LBB2_6-.Ltmp3, $4  }
0x74: {  	[sflag:s20] =	ssyncadd.s32 $0xFFFFD800  }
0x75: {  	[spmem:s1] =	stream.indirect.scatter.add.f32 [tilespmem:s19], [sflag:$0x2], $0x80, s17, s18, $0xb8;
	[tilespmem:$0x1E800] =	vst v63  }
0x76: {  	s0 =	smin.u32 s30, $0x7D;
	s29 =	smov.u32 s31;
	_ =	swait.ge [sflag:s16], $0x2800  }
0x77: {  	s30 =	sshll.u32 s0, $0x7;
	s17 =	sadd.s32 $0x80, s17;
	[sflag:s16] =	ssyncset.done $0x0  }
.Ltmp4:
0x78: {  	_ = 	snop;
	(pc) =	sbr.rel .LBB2_7-.Ltmp4, $1  }
0x79: {  	_ =	sdelay $0x3  }
.LBB2_2:
0x7a: {  	s0 =	rddreg [dreg:$0x3]  }
0x7b: {  	[spmem:s23], [sflag:s22] =	dma.local [hbm:s0], $0x800  }
0x7c: {  	_ =	swait.ge [sflag:s16], $0x800  }
0x7d: {  	[sflag:s16] =	ssyncset.done $0x0  }
0x7e: {  	s24 =	sshrl.u32 s11, $0x3;
	s26 =	rddreg [dreg:$0xb];
	[sflag:s16] =	ssyncadd.s32 $0xFFFFF800  }
0x7f: {  	[spmem:s24], [sflag:s22] =	dma.local [hbm:s26], $0x800  }
0x80: {  	_ =	swait.ge [sflag:s16], $0x800  }
0x81: {  	[sflag:s16] =	ssyncset.done $0x0  }
0x82: {  	s25 =	sshrl.u32 s12, $0x3;
	s31 =	rddreg [dreg:$0xe];
	[sflag:s16] =	ssyncadd.s32 $0xFFFFF800  }
0x83: {  	[spmem:s25], [sflag:s22] =	dma.local [hbm:s31], $0x800  }
0x84: {  	_ =	swait.ge [sflag:s16], $0x800  }
0x85: {  	[sflag:s16] =	ssyncset.done $0x0  }
0x86: {  	s26 =	sshrl.u32 s13, $0x3;
	s17 =	rddreg [dreg:$0x11];
	[sflag:s16] =	ssyncadd.s32 $0xFFFFF800  }
0x87: {  	[spmem:s26], [sflag:s22] =	dma.local [hbm:s17], $0x800  }
0x88: {  	_ =	swait.ge [sflag:s16], $0x800  }
0x89: {  	[sflag:s16] =	ssyncset.done $0x0  }
0x8a: {  	s28 =	sshrl.u32 s14, $0x3;
	[sflag:s16] =	ssyncadd.s32 $0xFFFFF800  }
0x8b: {  	[spmem:s28], [sflag:s22] =	dma.local [hbm:s10], $0x800  }
0x8c: {  	_ =	swait.ge [sflag:s16], $0x800  }
0x8d: {  	[sflag:s16] =	ssyncset.done $0x0  }
0x8e: {  	[sflag:s16] =	ssyncadd.s32 $0xFFFFF800  }
0x8f: {  	s17 =	simm.s32 $0x1;
	[bflag:$0x0] =	sbarrier.arrive $0xFFFF  }
0x90: {  	[tilespmem:s19], [sflag:$0x1] =	stream.indirect.gather [hbm4b:s4+s18], $0x80, s15, s18, $0xb8;
	[tilespmem:$0x1E800] =	vst v63  }
0x91: {  	_ =	swait.ge [sflag:s17], $0x2800  }
0x92: {  	[sflag:s17] =	ssyncset.done $0x0  }
0x93: {  	s29 =	simm.s32 $0x18000;
	[sflag:s17] =	ssyncadd.s32 $0xFFFFD800  }
0x94: {  	[spmem:s1] =	stream.indirect.scatter.add.f32 [tilespmem:s19], [sflag:$0x2], $0x80, s29, s18, $0xb8;
	[tilespmem:$0x1E800] =	vst v63  }
0x95: {  	s17 =	smin.u32 s17, $0x7D;
	_ =	swait.ge [sflag:s16], $0x2800  }
0x96: {  	s17 =	sshll.u32 s17, $0x7;
	[sflag:s16] =	ssyncset.done $0x0  }
0x97: {  	s17 =	sor.u32 $0x14000, s17;
	[sflag:s16] =	ssyncadd.s32 $0xFFFFD800  }
0x98: {  	[tilespmem:s19], [sflag:$0x1] =	stream.indirect.gather [hbm4b:s4+s18], $0x80, s17, s18, $0xb8;
	[tilespmem:$0x1E800] =	vst v63  }
0x99: {  	_ =	swait.ge [sflag:s20], $0x2800  }
0x9a: {  	s31 =	simm.s32 $0x2;
	[sflag:s20] =	ssyncset.done $0x0  }
0x9b: {  	s17 =	smin.u32 s31, $0x7D;
	[sflag:s20] =	ssyncadd.s32 $0xFFFFD800  }
0x9c: {  	[spmem:s1] =	stream.indirect.scatter.add.f32 [tilespmem:s19], [sflag:$0x2], $0x80, s29, s18, $0xb8;
	[tilespmem:$0x1E800] =	vst v63  }
0x9d: {  	s30 =	sshll.u32 s17, $0x7;
	_ =	swait.ge [sflag:s16], $0x2800  }
0x9e: {  	s17 =	simm.s32 $0x18080;
	s29 =	simm.s32 $0x3;
	[sflag:s16] =	ssyncset.done $0x0  }
.LBB2_3:
0x9f: {  	s30 =	sor.u32 $0x14000, s30  }
0xa0: {  	[sflag:s16] =	ssyncadd.s32 $0xFFFFD800;
	s31 =	smov.u32 s29;
	s0 =	sadd.s32 $0x1, s29  }
0xa1: {  	[tilespmem:s19], [sflag:$0x1] =	stream.indirect.gather [hbm4b:s4+s18], $0x80, s30, s18, $0xb8;
	[tilespmem:$0x1E800] =	vst v63  }
0xa2: {  	p1 =	sne.s32 s29, $0x7E;
	_ =	swait.ge [sflag:s20], $0x2800  }
.Ltmp5:
0xa3: {  	[sflag:s20] =	ssyncset.done $0x0;
	(pc) =	sbr.rel @p1 .LBB2_3-.Ltmp5, $4  }
0xa4: {  	s29 =	smin.u32 s31, $0x7D;
	[sflag:s20] =	ssyncadd.s32 $0xFFFFD800  }
0xa5: {  	[spmem:s1] =	stream.indirect.scatter.add.f32 [tilespmem:s19], [sflag:$0x2], $0x80, s17, s18, $0xb8;
	[tilespmem:$0x1E800] =	vst v63  }
0xa6: {  	s30 =	sshll.u32 s29, $0x7;
	_ =	swait.ge [sflag:s16], $0x2800  }
0xa7: {  	s29 =	smov.u32 s0;
	s17 =	sadd.s32 $0x80, s17;
	[sflag:s16] =	ssyncset.done $0x0  }
0xa8: {  	s0 =	sor.u32 $0x14000, s30;
	[sflag:s16] =	ssyncadd.s32 $0xFFFFD800  }
0xa9: {  	[tilespmem:s19], [sflag:$0x1] =	stream.indirect.gather [hbm4b:s4+s18], $0x80, s0, s18, $0xb8;
	[tilespmem:$0x1E800] =	vst v63  }
0xaa: {  	_ =	swait.ge [sflag:s20], $0x2800  }
0xab: {  	[sflag:s20] =	ssyncset.done $0x0  }
0xac: {  	[sflag:s20] =	ssyncadd.s32 $0xFFFFD800  }
0xad: {  	[spmem:s1] =	stream.indirect.scatter.add.f32 [tilespmem:s19], [sflag:$0x2], $0x80, s17, s18, $0xb8;
	[tilespmem:$0x1E800] =	vst v63  }
0xae: {  	_ =	swait.ge [sflag:s16], $0x2800  }
0xaf: {  	[sflag:s16] =	ssyncset.done $0x0  }
0xb0: {  	[sflag:s16] =	ssyncadd.s32 $0xFFFFD800  }
0xb1: {  	[bflag:$0x0] =	sbarrier.arrive $0xFFFF  }
0xb2: {  	s17 =	rddreg [dreg:$0x4]  }
0xb3: {  	[hbm:s17], [sflag:s22] =	dma.local [spmem:s23], $0x800  }
0xb4: {  	_ =	swait.ge [sflag:s16], $0x800  }
0xb5: {  	[sflag:s16] =	ssyncset.done $0x0  }
0xb6: {  	s23 =	rddreg [dreg:$0x5];
	[sflag:s16] =	ssyncadd.s32 $0xFFFFF800  }
0xb7: {  	[hbm:s23], [sflag:s22] =	dma.local [spmem:s24], $0x800  }
0xb8: {  	_ =	swait.ge [sflag:s16], $0x800  }
0xb9: {  	[sflag:s16] =	ssyncset.done $0x0  }
0xba: {  	s29 =	rddreg [dreg:$0x6];
	[sflag:s16] =	ssyncadd.s32 $0xFFFFF800  }
0xbb: {  	[hbm:s29], [sflag:s22] =	dma.local [spmem:s25], $0x800  }
0xbc: {  	_ =	swait.ge [sflag:s16], $0x800  }
0xbd: {  	[sflag:s16] =	ssyncset.done $0x0  }
0xbe: {  	s30 =	rddreg [dreg:$0x7];
	[sflag:s16] =	ssyncadd.s32 $0xFFFFF800  }
0xbf: {  	[hbm:s30], [sflag:s22] =	dma.local [spmem:s26], $0x800  }
.Ltmp6:
0xc0: {  	_ = 	snop;
	(pc) =	sbr.rel .LBB2_8-.Ltmp6, $4  }
0xc1: {  	_ =	swait.ge [sflag:s16], $0x800  }
0xc2: {  	[sflag:s16] =	ssyncset.done $0x0  }
0xc3: {  	s31 =	rddreg [dreg:$0x8];
	[sflag:s16] =	ssyncadd.s32 $0xFFFFF800  }
0xc4: {  	[hbm:s31], [sflag:s22] =	dma.local [spmem:s28], $0x800  }
.LBB2_9:
0xc5: {  	_ =	sfence.sel $0x180000  }
0xc6: {  	[bflag:$0x0] =	sbarrier.arrive $0xFFFF  }
0xc7: {  	_ =	strace $0x9000004A  }
0xc8: {  	s0 =	stileid.u32;
	[bflag:$0x2] =	sbarrier.arrive $0xFFFF  }
0xc9: {  	p0 =	sne.s32 s0, $0x0;
	s0 =	rddreg [dreg:$0x2]  }
0xca: {  	s0 =	sadd.s32 @!p0 $0x100000, s0  }
0xcb: {  	[sflag:s0] =	ssyncadd.tile.s32 @!p0 $0x1;
	_ =	shalt  }
.Lfunc_end2:
_tile_overlayer_lowered:
.L_overlay_start_2:
0xcc: {  	(tag) =	ssettag $0x2  }
0xcd: {  	s0 =	rddreg [dreg:$0x0];
	s2 =	stileid.u32  }
0xce: {  	s1 =	rddreg [dreg:$0x1];
	p0 =	sne.s32 s2, $0x0  }
0xcf: {  	s3 =	rddreg [dreg:$0x2];
	[bflag:$0x3] =	sbarrier.arrive $0xFFFF;
	s2 =	simm.s32 @!p0 $0x1C02  }
0xd0: {  	[timem:s3], [sflag:s2] =	dma.local @!p0 [hbm:s0], s1  }
0xd1: {  	s0 =	simm.s32 @!p0 $0x2  }
0xd2: {  	_ =	swait.ge @!p0 [sflag:s0], s1  }
0xd3: {  	s1 =	ssub.s32 @!p0 $0x0, s1;
	[sflag:s0] =	ssyncset.done @!p0 $0x0  }
0xd4: {  	[sflag:s0] =	ssyncadd.s32 @!p0 s1  }
0xd5: {  	[bflag:$0x3] =	sbarrier.arrive $0xFFFF  }
0xd6: {  	_ =	shalt  }

// kernel: kernel.14.cloned.1.call-start
scs
__scs_entry_jumppad:
0x0: {  	(pc) =	sbr.rel $0x88, $3  }
0x1: {  	(tag) =	ssettag $0x0;
	lr =	simm.s32 $0x1  }
0x2: {  	[smem:$0x3F8B] =	sst lr;
	_ =	strace $0xD0000000  }
0x3: {  	_ = 	snop  }
0x4: {  	_ = 	snop  }
0x5: {  	_ = 	snop  }
0x6: {  	_ = 	snop  }
0x7: {  	_ = 	snop  }
__scs_overlays_trampoline_lowered:
0x8: {  	[smem:$0x3F9A] =	sst s0  }
0x9: {  	[smem:$0x3F9B] =	sst s1  }
0xa: {  	[smem:$0x3F9C] =	sst s2  }
0xb: {  	[smem:$0x3F9D] =	sst s3  }
0xc: {  	[smem:$0x3F9E] =	sst s4  }
0xd: {  	[smem:$0x3F9F] =	sst s5  }
0xe: {  	[smem:$0x3FA0] =	sst s6  }
0xf: {  	[smem:$0x3FA1] =	sst s7  }
0x10: {  	[smem:$0x3FA2] =	sst s8  }
0x11: {  	[smem:$0x3FA3] =	sst s9;
	s0 =	simm.s32 @!p0 $0x0  }
0x12: {  	s1 =	sld [smem:$0x3F89];
	s0 =	simm.s32 @p0 $0x1  }
0x13: {  	[smem:$0x3FA4] =	sst s0;
	s0 =	simm.s32 @!p1 $0x0  }
0x14: {  	s2 =	sld [smem:$0x3F88];
	s0 =	simm.s32 @p1 $0x1  }
0x15: {  	[smem:$0x3FA5] =	sst s0;
	s0 =	simm.s32 @!p2 $0x0  }
0x16: {  	s3 =	sld [smem:$0x3FDB];
	s0 =	simm.s32 @p2 $0x1  }
0x17: {  	s4 =	simm.s32 $0x1BF5;
	[smem:$0x3FA7] =	sst s0  }
0x18: {  	s0 =	sld [smem:$0x3F8A];
	_ =	swait.ge [sflag:s4], $0x0  }
0x19: {  	s7 =	sld [smem:$0x3F8B]  }
0x1a: {  	s8 =	sadd.s32 $0xFFFFE003, lr  }
0x1b: {  	s9 =	sadd.s32 $0xFFFFFEF7, lr;
	s5 =	simm.s32 $0xFFFFFFFF;
	p2 =	slt.u32 s8, $0xFFFFF086  }
0x1c: {  	p1 =	slt.u32 s9, $0xF7A;
	s5 =	simm.s32 @!p2 $0x0  }
0x1d: {  	s5 =	simm.s32 @p1 $0x1;
	p0 =	seq.s32 s7, s2  }
0x1e: {  	s7 =	smul.u32 @!p0 $0xF7A, s2;
	p2 =	seq.s32 @!p0 s5, $0x0  }
0x1f: {  	s9 =	smul.u32 $0xF7A, s1;
	s8 =	simm.s32 @!p0 $0x1BF5;
	p2 =	por !p2, p0  }
0x20: {  	[sflag:s8] =	ssyncset.s32 @!p0 $0xFFFFF086;
	s6 =	sadd.s32 @!p0 s3, s7;
	s7 =	simm.s32 @!p0 $0x108  }
0x21: {  	s3 =	sadd.s32 s3, s9;
	s6 =	sadd.s32 @!p0 $0x88, s6;
	s7 =	simm.s32 @p2 $0x1082  }
0x22: {  	[simem:s7], [sflag:s8] =	dma.local @!p0 [hbm:s6], $0xF7A  }
0x23: {  	s9 =	sor.u32 $0xD0000000, s2;
	s6 =	simm.s32 $0x108;
	_ =	swait.ge @!p0 [sflag:s8], $0x0  }
0x24: {  	s3 =	sadd.s32 $0x88, s3;
	s6 =	simm.s32 @!p1 $0x1082;
	[sflag:s4] =	ssyncset.s32 $0xFFFFF086  }
0x25: {  	[simem:s6], [sflag:s4] =	dma.local [hbm:s3], $0xF7A  }
0x26: {  	[smem:$0x3F8B] =	sst s1;
	(tag) =	ssettag s2;
	_ =	strace s9  }
0x27: {  	s1 =	sld [smem:$0x3F9B]  }
0x28: {  	s2 =	sld [smem:$0x3F9C]  }
0x29: {  	s4 =	sld [smem:$0x3F9E]  }
0x2a: {  	p0 =	seq.s32 s5, $0x0;
	s5 =	sld [smem:$0x3F9F]  }
0x2b: {  	s6 =	sld [smem:$0x3FA0]  }
0x2c: {  	s7 =	sld [smem:$0x3FA1]  }
0x2d: {  	s3 =	simm.s32 $0x108;
	s8 =	sld [smem:$0x3FA2]  }
0x2e: {  	s3 =	simm.s32 @!p0 $0x1082;
	s9 =	sld [smem:$0x3FA3]  }
0x2f: {  	lr =	sadd.s32 s0, s3;
	s0 =	sld [smem:$0x3F9A]  }
0x30: {  	s3 =	sld [smem:$0x3F9D]  }
0x31: {  	[smem:$0x3FA6] =	sst s10  }
0x32: {  	s10 =	sld [smem:$0x3FA4];
	_ =	sdelay $0x3  }
0x33: {  	p0 =	seq.s32 s10, $0x1;
	s10 =	sld [smem:$0x3FA6];
	_ =	sdelay $0x3  }
0x34: {  	[smem:$0x3FA6] =	sst s10  }
0x35: {  	s10 =	sld [smem:$0x3FA5];
	_ =	sdelay $0x3  }
0x36: {  	p1 =	seq.s32 s10, $0x1;
	s10 =	sld [smem:$0x3FA6];
	_ =	sdelay $0x3  }
0x37: {  	[smem:$0x3FA6] =	sst s10  }
0x38: {  	s10 =	sld [smem:$0x3FA7]  }
0x39: {  	_ = 	snop;
	(pc) =	sbr.ind lr, $3  }
0x3a: {  	_ = 	snop  }
0x3b: {  	_ = 	snop  }
0x3c: {  	p2 =	seq.s32 s10, $0x1;
	s10 =	sld [smem:$0x3FA6]  }
0x3d: {  	_ =	shalt  }
0x3e: {  	_ =	shalt  }
0x3f: {  	_ =	shalt  }
0x40: {  	_ =	shalt  }
0x41: {  	_ =	shalt  }
0x42: {  	_ =	shalt  }
0x43: {  	_ =	shalt  }
0x44: {  	_ =	shalt  }
0x45: {  	_ =	shalt  }
0x46: {  	_ =	shalt  }
0x47: {  	_ =	shalt  }
0x48: {  	_ =	shalt  }
0x49: {  	_ =	shalt  }
0x4a: {  	_ =	shalt  }
0x4b: {  	_ =	shalt  }
0x4c: {  	_ =	shalt  }
0x4d: {  	_ =	shalt  }
0x4e: {  	_ =	shalt  }
0x4f: {  	_ =	shalt  }
0x50: {  	_ =	shalt  }
0x51: {  	_ =	shalt  }
0x52: {  	_ =	shalt  }
0x53: {  	_ =	shalt  }
0x54: {  	_ =	shalt  }
0x55: {  	_ =	shalt  }
0x56: {  	_ =	shalt  }
0x57: {  	_ =	shalt  }
0x58: {  	_ =	shalt  }
0x59: {  	_ =	shalt  }
0x5a: {  	_ =	shalt  }
0x5b: {  	_ =	shalt  }
0x5c: {  	_ =	shalt  }
0x5d: {  	_ =	shalt  }
0x5e: {  	_ =	shalt  }
0x5f: {  	_ =	shalt  }
0x60: {  	_ =	shalt  }
0x61: {  	_ =	shalt  }
0x62: {  	_ =	shalt  }
0x63: {  	_ =	shalt  }
0x64: {  	_ =	shalt  }
0x65: {  	_ =	shalt  }
0x66: {  	_ =	shalt  }
0x67: {  	_ =	shalt  }
0x68: {  	_ =	shalt  }
0x69: {  	_ =	shalt  }
0x6a: {  	_ =	shalt  }
0x6b: {  	_ =	shalt  }
0x6c: {  	_ =	shalt  }
0x6d: {  	_ =	shalt  }
0x6e: {  	_ =	shalt  }
0x6f: {  	_ =	shalt  }
0x70: {  	_ =	shalt  }
0x71: {  	_ =	shalt  }
0x72: {  	_ =	shalt  }
0x73: {  	_ =	shalt  }
0x74: {  	_ =	shalt  }
0x75: {  	_ =	shalt  }
0x76: {  	_ =	shalt  }
0x77: {  	_ =	shalt  }
0x78: {  	_ =	shalt  }
0x79: {  	_ =	shalt  }
0x7a: {  	_ =	shalt  }
0x7b: {  	_ =	shalt  }
0x7c: {  	_ =	shalt  }
0x7d: {  	_ =	shalt  }
0x7e: {  	_ =	shalt  }
0x7f: {  	_ =	shalt  }
0x80: {  	_ =	shalt  }
0x81: {  	_ =	shalt  }
0x82: {  	_ =	shalt  }
0x83: {  	_ =	shalt  }
0x84: {  	_ =	shalt  }
0x85: {  	_ =	shalt  }
0x86: {  	_ =	shalt  }
0x87: {  	_ =	shalt  }
.Lfunc_end0:
.L_simem_size_0:
called_computation.2_lowered:
.L_overlay_start_0:
0x88: {  	s2 =	sld [smem:$0x3FD9]  }
0x89: {  	s3 =	sld [smem:$0x3FFE];
	_ =	sdelay $0x1  }
0x8a: {  	s1 =	srdreg.scid  }
0x8b: {  	s0 =	sand.u32 $0x1, s1  }
0x8c: {  	s17 =	sshll.u32 s0, $0xA;
	s2 =	sadd.s32 s3, s2  }
0x8d: {  	s2 =	sadd.s32 s2, s17  }
0x8e: {  	[smem:$0x3FB2] =	sst s2  }
0x8f: {  	_ = 	snop  }
0x90: {  	s2 =	sld [smem:$0x3FD0];
	(tm) =	ssettm $0x1  }
0x91: {  	s18 =	sld [smem:$0x3FFB];
	_ =	sdelay $0x3  }
0x92: {  	_ =	strace s18  }
0x93: {  	s3 =	sld [smem:$0x3FFC];
	_ =	sdelay $0x3  }
0x94: {  	_ =	strace s3  }
0x95: {  	s3 =	sld [smem:$0x3FFD];
	_ =	sdelay $0x3  }
0x96: {  	_ =	strace s3  }
0x97: {  	_ =	strace $0x8FFFFFFF  }
0x98: {  	s19 =	sld [smem:$0x3FDB];
	_ =	sdelay $0x1  }
0x99: {  	s4 =	simm.s32 $_scs_section_size  }
0x9a: {  	s5 =	simm.s32 $_size__tile_overlayer_lowered;
	s6 =	simm.s32 $_tile_overlayer_lowered  }
0x9b: {  	s22 =	simm.s32 $0x1BFF;
	s21 =	sshll.u32 s6, $0x1;
	s3 =	sadd.s32 s4, s19  }
0x9c: {  	s7 =	simm.s32 $0x0;
	s20 =	sshll.u32 s5, $0x1;
	s5 =	sadd.s32 s21, s3  }
0x9d: {  	[timem:s7], [sflag:s22] =	dma.local [hbm:s5], s20  }
0x9e: {  	_ =	swait.ge [sflag:s22], s20  }
0x9f: {  	s4 =	ssub.s32 $0x0, s20;
	[sflag:s22] =	ssyncset.done $0x0  }
0xa0: {  	[sflag:s22] =	ssyncadd.s32 s4;
	_ =	sdelay $0x1  }
0xa1: {  	s23 =	simm.s32 $0x1B8B  }
0xa2: {  	_ =	swait.ge [sflag:s23], $0x1  }
0xa3: {  	[sflag:s23] =	ssyncset.done $0x0  }
0xa4: {  	s25 =	simm.s32 $0x1B8E;
	s24 =	sld [smem:$0x3FFE];
	[sflag:s23] =	ssyncadd.s32 $0xFFFFFFFF  }
0xa5: {  	s26 =	simm.s32 $execute0_lowered;
	[smem:$0x3FD2] =	sst s25  }
0xa6: {  	s5 =	sshll.u32 s26, $0x1;
	_ =	strace $0x8000004C;
	[dreg:$0x1] =	wrdreg $0xFFFFFFFF  }
0xa7: {  	s28 =	simm.s32 $_size_execute0_lowered;
	s3 =	sadd.s32 s3, s5;
	[dreg:$0x0] =	wrdreg $0x0  }
0xa8: {  	s5 =	sshll.u32 s28, $0x1;
	[dreg:$0x2] =	wrdreg s3  }
0xa9: {  	[dreg:$0x3] =	wrdreg s5  }
0xaa: {  	[dreg:$0x4] =	wrdreg $0xC0  }
0xab: {  	_ =	task [dreg:s7], $0x5FFFF  }
0xac: {  	[dreg:$0x1] =	wrdreg $0xFFFFFFFF  }
0xad: {  	[dreg:$0x0] =	wrdreg $0x60  }
0xae: {  	[dreg:$0x2] =	wrdreg s24  }
0xaf: {  	[dreg:$0x3] =	wrdreg s2  }
0xb0: {  	[dreg:$0x4] =	wrdreg $0x0  }
0xb1: {  	[dreg:$0x5] =	wrdreg $0x9  }
0xb2: {  	_ =	task.clear_ibuf [dreg:s7], $0x6FFFF;
	_ =	strace $0x9000004C  }
0xb3: {  	s29 =	simm.s32 $0x9;
	_ =	strace $0x8000004E  }
0xb4: {  	_ =	swait.ge [sflag:s29], $0x1  }
0xb5: {  	[sflag:s29] =	ssyncadd.s32 $0xFFFFFFFF  }
0xb6: {  	_ =	strace $0x9000004E  }
0xb7: {  	_ =	sfence  }
0xb8: {  	s30 =	sld [smem:$0x0];
	_ =	sdelay $0x2  }
0xb9: {  	s31 =	sshll.u32 s1, $0xD;
	s1 =	sshrl.u32 s1, $0x2  }
0xba: {  	s3 =	sand.u32 $0x4000, s31;
	s1 =	sadd.s32 s1, s30  }
0xbb: {  	s0 =	sor.u32 s3, s0;
	s1 =	sshll.u32 s1, $0x11  }
0xbc: {  	s0 =	sor.u32 s1, s0  }
0xbd: {  	s0 =	sadd.s32 $0x8F2B, s0  }
0xbe: {  	[sflag:s0] =	ssyncadd.remote.s32 $0x1  }
0xbf: {  	_ =	sfence.sel $0xFFFF  }
0xc0: {  	[dreg:$0x0] =	wrdreg $0xFFFFFFFF;
	(pc) =	sbr.abs _section_cstart, $3  }
0xc1: {  	[dreg:$0x1] =	wrdreg $0xFFFFFFFF  }
0xc2: {  	_ =	task.clear_ibuf [dreg:s7], $0x2FFFF;
	_ =	strace $0x9FFFFFFF  }
0xc3: {  	(tm) =	ssettm $0x7FFFFFFF  }
tec
execute0_lowered:
.L_overlay_start_1:
0x0: {  	(tag) =	ssettag $0x1  }
0x1: {  	s0 =	rddreg [dreg:$0x0]  }
0x2: {  	s18 =	rddreg [dreg:$0x1];
	s1 =	srdreg.scid  }
0x3: {  	s3 =	rddreg [dreg:$0x2];
	s2 =	sand.u32 $0x1, s1  }
0x4: {  	s6 =	simm.s32 $0x0;
	s1 =	stileid.u32;
	s4 =	smul.u32 $0x24000, s2  }
0x5: {  	[smem:$0x7FF] =	sst s6;
	s5 =	smul.u32 $0x2400, s1  }
0x6: {  	s29 =	sadd.s32 $0x800, s18;
	s30 =	sadd.s32 $0x1000, s18;
	s8 =	smul.u32 $0x50000, s1  }
0x7: {  	s31 =	sadd.s32 $0x1800, s18;
	_ =	strace $0x8000004D;
	s24 =	smul.u32 $0x280, s1  }
0x8: {  	s21 =	ssub.s32 $0x2, s2;
	p0 =	seq.s32 s2, $0x0;
	s26 =	smul.u32 $0x2800, s1  }
0x9: {  	s7 =	sshrl.u32 s21, $0x1;
	s4 =	sadd.s32 s5, s4;
	s5 =	sadd.s32 $0x46800, s0  }
0xa: {  	s6 =	ssub.s32 s21, s7;
	s23 =	sshrl.u32 s8, $0x2;
	s9 =	sadd.s32 $0x80, s24  }
0xb: {  	s21 =	sadd.s32 $0x100, s24;
	s14 =	sadd.s32 $0x180, s24;
	s4 =	sshrl.u32 s4, $0x3  }
0xc: {  	s8 =	sadd.s32 s23, s3;
	s25 =	smax.u32 s6, $0x1;
	s10 =	sadd.s32 s5, s26  }
0xd: {  	s19 =	sshll.u32 s9, $0x7;
	s9 =	sshll.u32 s9, $0x4;
	s12 =	sshll.u32 s21, $0x7  }
0xe: {  	s23 =	sshll.u32 s14, $0x7;
	s14 =	sshll.u32 s14, $0x4;
	s4 =	sadd.s32 s4, s0  }
0xf: {  	[dreg:$0x6] =	wrdreg s25;
	s6 =	sadd.s32 $0x4000, s8;
	s7 =	sadd.s32 $0x8000, s8  }
0x10: {  	[dreg:$0x7] =	wrdreg s10;
	s11 =	sadd.s32 s19, s3;
	s20 =	sadd.s32 s5, s9  }
0x11: {  	s10 =	sshll.u32 s21, $0x4;
	s13 =	sadd.s32 s12, s3;
	s15 =	sadd.s32 s23, s3  }
0x12: {  	s12 =	simm.s32 $0x6E800;
	s22 =	sadd.s32 $0xE6800, s4;
	[dreg:$0x8] =	wrdreg s20  }
0x13: {  	s4 =	sadd.s32 $0x4E00, s4;
	s12 =	simm.s32 @!p0 $0x96800;
	[dreg:$0x4] =	wrdreg s22  }
0x14: {  	[dreg:$0x5] =	wrdreg s4;
	s22 =	sadd.s32 s5, s10;
	s4 =	sadd.s32 $0x200, s24  }
0x15: {  	s0 =	sadd.s32 s12, s0;
	s24 =	sadd.s32 s5, s14;
	[dreg:$0x9] =	wrdreg s22  }
0x16: {  	s12 =	simm.s32 $0x0;
	s16 =	sshll.u32 s4, $0x7;
	[dreg:$0xa] =	wrdreg s24  }
0x17: {  	s4 =	sshll.u32 s4, $0x4;
	s2 =	sadd.s32 s0, s26;
	s25 =	sadd.s32 s0, s9  }
0x18: {  	s26 =	sadd.s32 s0, s10;
	s21 =	sadd.s32 s0, s14;
	s24 =	sshrl.u32 @!p0 s6, $0x3  }
0x19: {  	s6 =	simm.s32 $0x16400;
	s9 =	simm.s32 $0x18800;
	[dreg:$0xb] =	wrdreg s2  }
0x1a: {  	s10 =	simm.s32 $0x1;
	s17 =	sadd.s32 s16, s3;
	[dreg:$0xc] =	wrdreg s25  }
0x1b: {  	[dreg:$0xd] =	wrdreg s26;
	s22 =	sadd.s32 s0, s4;
	s23 =	sadd.s32 s5, s4  }
0x1c: {  	s0 =	sadd.s32 $0xC000, s8;
	s25 =	sshrl.u32 @!p0 s7, $0x3;
	s2 =	simm.s32 $0x14000  }
0x1d: {  	s4 =	simm.s32 $0x2;
	s26 =	sshrl.u32 @!p0 s0, $0x3;
	s0 =	sadd.s32 $0x10000, s8  }
0x1e: {  	s7 =	simm.s32 $0x50;
	s28 =	sshrl.u32 @!p0 s0, $0x3;
	s0 =	sadd.s32 $0x2000, s18  }
.LBB2_1:
0x1f: {  	s14 =	simm.s32 $0x0;
	s16 =	rddreg [dreg:$0x4]  }
0x20: {  	[tilespmem:s2], [sflag:$0x2] =	stream.linear.gather [hbm4b:s16+s14], $0x2080, $0x38;
	[tilespmem:$0x1B000] =	vst v63  }
0x21: {  	_ =	swait.ge [sflag:s4], $0x2080  }
0x22: {  	[sflag:s4] =	ssyncset.done $0x0  }
0x23: {  	s18 =	rddreg [dreg:$0x5];
	[sflag:s4] =	ssyncadd.s32 $0xFFFFDF80  }
0x24: {  	[tilespmem:s6], [sflag:$0x2] =	stream.linear.gather [hbm4b:s18+s14], $0x2080, $0x38;
	[tilespmem:$0x1B000] =	vst v63  }
0x25: {  	_ =	swait.ge [sflag:s4], $0x2080  }
0x26: {  	s16 =	sshrl.u32 @p0 s8, $0x3;
	s14 =	sshll.u32 @p0 s1, $0x6;
	[sflag:s4] =	ssyncset.done $0x0  }
0x27: {  	s14 =	sor.u32 @p0 $0x1C02, s14;
	s18 =	rddreg [dreg:$0x7];
	[sflag:s4] =	ssyncadd.s32 $0xFFFFDF80  }
0x28: {  	[spmem:s16], [sflag:s14] =	dma.local @p0 [hbm:s18], $0x800  }
0x29: {  	s16 =	simm.s32 @p0 $0x2  }
0x2a: {  	_ =	swait.ge @p0 [sflag:s16], $0x800  }
0x2b: {  	[sflag:s16] =	ssyncset.done @p0 $0x0  }
0x2c: {  	s18 =	sshrl.u32 @p0 s11, $0x3;
	s19 =	rddreg [dreg:$0x8];
	[sflag:s16] =	ssyncadd.s32 @p0 $0xFFFFF800  }
0x2d: {  	[spmem:s18], [sflag:s14] =	dma.local @p0 [hbm:s19], $0x800  }
0x2e: {  	_ =	swait.ge @p0 [sflag:s16], $0x800  }
0x2f: {  	[sflag:s16] =	ssyncset.done @p0 $0x0  }
0x30: {  	s18 =	sshrl.u32 @p0 s13, $0x3;
	s19 =	rddreg [dreg:$0x9];
	[sflag:s16] =	ssyncadd.s32 @p0 $0xFFFFF800  }
0x31: {  	[spmem:s18], [sflag:s14] =	dma.local @p0 [hbm:s19], $0x800  }
0x32: {  	_ =	swait.ge @p0 [sflag:s16], $0x800  }
0x33: {  	[sflag:s16] =	ssyncset.done @p0 $0x0  }
0x34: {  	s18 =	sshrl.u32 @p0 s15, $0x3;
	s19 =	rddreg [dreg:$0xa];
	[sflag:s16] =	ssyncadd.s32 @p0 $0xFFFFF800  }
0x35: {  	[spmem:s18], [sflag:s14] =	dma.local @p0 [hbm:s19], $0x800  }
0x36: {  	_ =	swait.ge @p0 [sflag:s16], $0x800  }
0x37: {  	[sflag:s16] =	ssyncset.done @p0 $0x0  }
0x38: {  	[sflag:s16] =	ssyncadd.s32 @p0 $0xFFFFF800;
	s16 =	sshrl.u32 @p0 s17, $0x3  }
0x39: {  	[spmem:s16], [sflag:s14] =	dma.local @p0 [hbm:s23], $0x800  }
0x3a: {  	s14 =	sshll.u32 @!p0 s1, $0x6  }
0x3b: {  	s16 =	sshrl.u32 @!p0 s8, $0x3;
	s14 =	sor.u32 @!p0 $0x1C02, s14;
	s18 =	rddreg [dreg:$0x1]  }
0x3c: {  	[spmem:s16], [sflag:s14] =	dma.local @!p0 [hbm:s18], $0x800  }
0x3d: {  	s16 =	simm.s32 @!p0 $0x2  }
0x3e: {  	_ =	swait.ge @!p0 [sflag:s16], $0x800  }
0x3f: {  	[sflag:s16] =	ssyncset.done @!p0 $0x0  }
0x40: {  	[sflag:s16] =	ssyncadd.s32 @!p0 $0xFFFFF800  }
0x41: {  	[spmem:s24], [sflag:s14] =	dma.local @!p0 [hbm:s29], $0x800  }
0x42: {  	_ =	swait.ge @!p0 [sflag:s16], $0x800  }
0x43: {  	[sflag:s16] =	ssyncset.done @!p0 $0x0  }
0x44: {  	[sflag:s16] =	ssyncadd.s32 @!p0 $0xFFFFF800  }
0x45: {  	[spmem:s25], [sflag:s14] =	dma.local @!p0 [hbm:s30], $0x800  }
0x46: {  	_ =	swait.ge @!p0 [sflag:s16], $0x800  }
0x47: {  	[sflag:s16] =	ssyncset.done @!p0 $0x0  }
0x48: {  	[sflag:s16] =	ssyncadd.s32 @!p0 $0xFFFFF800  }
0x49: {  	[spmem:s26], [sflag:s14] =	dma.local @!p0 [hbm:s31], $0x800  }
0x4a: {  	_ =	swait.ge @!p0 [sflag:s16], $0x800  }
0x4b: {  	[sflag:s16] =	ssyncset.done @!p0 $0x0  }
0x4c: {  	[sflag:s16] =	ssyncadd.s32 @!p0 $0xFFFFF800  }
0x4d: {  	[spmem:s28], [sflag:s14] =	dma.local @!p0 [hbm:s0], $0x800  }
0x4e: {  	_ =	swait.ge [sflag:s4], $0x800  }
0x4f: {  	[sflag:s4] =	ssyncset.done $0x0  }
0x50: {  	[sflag:s4] =	ssyncadd.s32 $0xFFFFF800  }
0x51: {  	[bflag:$0x0] =	sbarrier.arrive $0xFFFF  }
0x52: {  	[tilespmem:s9], [sflag:$0x1] =	stream.indirect.gather [hbm4b:s5+s7], $0x80, s2, s7, $0xb8;
	[tilespmem:$0x1B000] =	vst v63  }
0x53: {  	_ =	swait.ge [sflag:s10], $0x2800  }
0x54: {  	[sflag:s10] =	ssyncset.done $0x0  }
0x55: {  	[sflag:s10] =	ssyncadd.s32 $0xFFFFD800  }
0x56: {  	[spmem:s3] =	stream.indirect.scatter.add.f32 [tilespmem:s9], [sflag:$0x2], $0x80, s6, s7, $0xb8;
	[tilespmem:$0x1B000] =	vst v63  }
0x57: {  	s19 =	smin.u32 s10, $0x40;
	_ =	swait.ge [sflag:s4], $0x2800  }
0x58: {  	s14 =	sshll.u32 s19, $0x7;
	[sflag:s4] =	ssyncset.done $0x0  }
0x59: {  	s14 =	sor.u32 $0x14000, s14;
	[sflag:s4] =	ssyncadd.s32 $0xFFFFD800  }
0x5a: {  	[tilespmem:s9], [sflag:$0x1] =	stream.indirect.gather [hbm4b:s5+s7], $0x80, s14, s7, $0xb8;
	[tilespmem:$0x1B000] =	vst v63  }
0x5b: {  	_ =	swait.ge [sflag:s10], $0x2800  }
0x5c: {  	[sflag:s10] =	ssyncset.done $0x0  }
0x5d: {  	s20 =	simm.s32 $0x2;
	[sflag:s10] =	ssyncadd.s32 $0xFFFFD800  }
0x5e: {  	[spmem:s3] =	stream.indirect.scatter.add.f32 [tilespmem:s9], [sflag:$0x2], $0x80, s6, s7, $0xb8;
	[tilespmem:$0x1B000] =	vst v63  }
0x5f: {  	s16 =	simm.s32 $0x3;
	s14 =	smin.u32 s20, $0x40;
	_ =	swait.ge [sflag:s4], $0x2800  }
0x60: {  	s18 =	sshll.u32 s14, $0x7;
	s14 =	simm.s32 $0x16480;
	[sflag:s4] =	ssyncset.done $0x0  }
.LBB2_2:
0x61: {  	s18 =	sor.u32 $0x14000, s18  }
0x62: {  	[sflag:s4] =	ssyncadd.s32 $0xFFFFD800;
	s19 =	smov.u32 s16;
	s20 =	sadd.s32 $0x1, s16  }
0x63: {  	[tilespmem:s9], [sflag:$0x1] =	stream.indirect.gather [hbm4b:s5+s7], $0x80, s18, s7, $0xb8;
	[tilespmem:$0x1B000] =	vst v63  }
0x64: {  	p1 =	sne.s32 s16, $0x41;
	_ =	swait.ge [sflag:s10], $0x2800  }
.Ltmp0:
0x65: {  	[sflag:s10] =	ssyncset.done $0x0;
	(pc) =	sbr.rel @p1 .LBB2_2-.Ltmp0, $4  }
0x66: {  	s16 =	smin.u32 s19, $0x40;
	[sflag:s10] =	ssyncadd.s32 $0xFFFFD800  }
0x67: {  	[spmem:s3] =	stream.indirect.scatter.add.f32 [tilespmem:s9], [sflag:$0x2], $0x80, s14, s7, $0xb8;
	[tilespmem:$0x1B000] =	vst v63  }
0x68: {  	s18 =	sshll.u32 s16, $0x7;
	_ =	swait.ge [sflag:s4], $0x2800  }
0x69: {  	s16 =	smov.u32 s20;
	s14 =	sadd.s32 $0x80, s14;
	[sflag:s4] =	ssyncset.done $0x0  }
0x6a: {  	s16 =	sor.u32 $0x14000, s18;
	[sflag:s4] =	ssyncadd.s32 $0xFFFFD800  }
0x6b: {  	[tilespmem:s9], [sflag:$0x1] =	stream.indirect.gather [hbm4b:s5+s7], $0x80, s16, s7, $0xb8;
	[tilespmem:$0x1B000] =	vst v63  }
0x6c: {  	_ =	swait.ge [sflag:s10], $0x2800  }
0x6d: {  	[sflag:s10] =	ssyncset.done $0x0  }
0x6e: {  	[sflag:s10] =	ssyncadd.s32 $0xFFFFD800  }
0x6f: {  	[spmem:s3] =	stream.indirect.scatter.add.f32 [tilespmem:s9], [sflag:$0x2], $0x80, s14, s7, $0xb8;
	[tilespmem:$0x1B000] =	vst v63  }
0x70: {  	_ =	swait.ge [sflag:s4], $0x2800  }
0x71: {  	[sflag:s4] =	ssyncset.done $0x0  }
0x72: {  	[sflag:s4] =	ssyncadd.s32 $0xFFFFD800  }
0x73: {  	s18 =	sshll.u32 s1, $0x6;
	[bflag:$0x0] =	sbarrier.arrive $0xFFFF  }
0x74: {  	s19 =	sshrl.u32 s8, $0x3;
	s14 =	sor.u32 $0x1C02, s18;
	s20 =	rddreg [dreg:$0xb]  }
0x75: {  	[hbm:s20], [sflag:s14] =	dma.local [spmem:s19], $0x800  }
0x76: {  	_ =	swait.ge [sflag:s4], $0x800  }
0x77: {  	[sflag:s4] =	ssyncset.done $0x0  }
0x78: {  	s19 =	sshrl.u32 s11, $0x3;
	s20 =	rddreg [dreg:$0xc];
	[sflag:s4] =	ssyncadd.s32 $0xFFFFF800  }
0x79: {  	[hbm:s20], [sflag:s14] =	dma.local [spmem:s19], $0x800  }
0x7a: {  	_ =	swait.ge [sflag:s4], $0x800  }
0x7b: {  	[sflag:s4] =	ssyncset.done $0x0  }
0x7c: {  	s19 =	sshrl.u32 s13, $0x3;
	s20 =	rddreg [dreg:$0xd];
	[sflag:s4] =	ssyncadd.s32 $0xFFFFF800  }
0x7d: {  	[hbm:s20], [sflag:s14] =	dma.local [spmem:s19], $0x800  }
0x7e: {  	_ =	swait.ge [sflag:s4], $0x800  }
0x7f: {  	[sflag:s4] =	ssyncset.done $0x0  }
0x80: {  	s18 =	sshrl.u32 s15, $0x3;
	[sflag:s4] =	ssyncadd.s32 $0xFFFFF800  }
0x81: {  	[hbm:s21], [sflag:s14] =	dma.local [spmem:s18], $0x800  }
0x82: {  	_ =	swait.ge [sflag:s4], $0x800  }
0x83: {  	[sflag:s4] =	ssyncset.done $0x0  }
0x84: {  	s19 =	sshrl.u32 s17, $0x3;
	[sflag:s4] =	ssyncadd.s32 $0xFFFFF800  }
0x85: {  	[hbm:s22], [sflag:s14] =	dma.local [spmem:s19], $0x800  }
0x86: {  	_ =	swait.ge [sflag:s4], $0x800  }
0x87: {  	s12 =	sadd.s32 $0x1, s12;
	s20 =	rddreg [dreg:$0x6]  }
0x88: {  	p1 =	sne.s32 s12, s20  }
.Ltmp1:
0x89: {  	_ = 	snop;
	(pc) =	sbr.rel @p1 .LBB2_1-.Ltmp1, $3  }
0x8a: {  	_ =	sdelay $0x1  }
0x8b: {  	[sflag:s4] =	ssyncset.done $0x0  }
0x8c: {  	[sflag:s4] =	ssyncadd.s32 $0xFFFFF800  }
0x8d: {  	_ =	sfence.sel $0x180000  }
0x8e: {  	[bflag:$0x0] =	sbarrier.arrive $0xFFFF  }
0x8f: {  	_ =	strace $0x9000004D  }
0x90: {  	[bflag:$0x2] =	sbarrier.arrive $0xFFFF  }
0x91: {  	p0 =	sne.s32 s1, $0x0;
	s0 =	rddreg [dreg:$0x3]  }
0x92: {  	s0 =	sadd.s32 @!p0 $0x100000, s0  }
0x93: {  	[sflag:s0] =	ssyncadd.tile.s32 @!p0 $0x1;
	_ =	shalt  }
.Lfunc_end2:
_tile_overlayer_lowered:
.L_overlay_start_2:
0x94: {  	(tag) =	ssettag $0x2  }
0x95: {  	s0 =	rddreg [dreg:$0x0];
	s2 =	stileid.u32  }
0x96: {  	s1 =	rddreg [dreg:$0x1];
	p0 =	sne.s32 s2, $0x0  }
0x97: {  	s3 =	rddreg [dreg:$0x2];
	[bflag:$0x3] =	sbarrier.arrive $0xFFFF;
	s2 =	simm.s32 @!p0 $0x1C02  }
0x98: {  	[timem:s3], [sflag:s2] =	dma.local @!p0 [hbm:s0], s1  }
0x99: {  	s0 =	simm.s32 @!p0 $0x2  }
0x9a: {  	_ =	swait.ge @!p0 [sflag:s0], s1  }
0x9b: {  	s1 =	ssub.s32 @!p0 $0x0, s1;
	[sflag:s0] =	ssyncset.done @!p0 $0x0  }
0x9c: {  	[sflag:s0] =	ssyncadd.s32 @!p0 s1  }
0x9d: {  	[bflag:$0x3] =	sbarrier.arrive $0xFFFF  }
0x9e: {  	_ =	shalt  }

// kernel: kernel.8.cloned.1.call-start
scs
__scs_entry_jumppad:
0x0: {  	(pc) =	sbr.rel $0x88, $3  }
0x1: {  	(tag) =	ssettag $0x0;
	lr =	simm.s32 $0x1  }
0x2: {  	[smem:$0x3F8B] =	sst lr;
	_ =	strace $0xD0000000  }
0x3: {  	_ = 	snop  }
0x4: {  	_ = 	snop  }
0x5: {  	_ = 	snop  }
0x6: {  	_ = 	snop  }
0x7: {  	_ = 	snop  }
__scs_overlays_trampoline_lowered:
0x8: {  	[smem:$0x3F9A] =	sst s0  }
0x9: {  	[smem:$0x3F9B] =	sst s1  }
0xa: {  	[smem:$0x3F9C] =	sst s2  }
0xb: {  	[smem:$0x3F9D] =	sst s3  }
0xc: {  	[smem:$0x3F9E] =	sst s4  }
0xd: {  	[smem:$0x3F9F] =	sst s5  }
0xe: {  	[smem:$0x3FA0] =	sst s6  }
0xf: {  	[smem:$0x3FA1] =	sst s7  }
0x10: {  	[smem:$0x3FA2] =	sst s8  }
0x11: {  	[smem:$0x3FA3] =	sst s9;
	s0 =	simm.s32 @!p0 $0x0  }
0x12: {  	s1 =	sld [smem:$0x3F89];
	s0 =	simm.s32 @p0 $0x1  }
0x13: {  	[smem:$0x3FA4] =	sst s0;
	s0 =	simm.s32 @!p1 $0x0  }
0x14: {  	s2 =	sld [smem:$0x3F88];
	s0 =	simm.s32 @p1 $0x1  }
0x15: {  	[smem:$0x3FA5] =	sst s0;
	s0 =	simm.s32 @!p2 $0x0  }
0x16: {  	s3 =	sld [smem:$0x3FDB];
	s0 =	simm.s32 @p2 $0x1  }
0x17: {  	s4 =	simm.s32 $0x1BF5;
	[smem:$0x3FA7] =	sst s0  }
0x18: {  	s0 =	sld [smem:$0x3F8A];
	_ =	swait.ge [sflag:s4], $0x0  }
0x19: {  	s7 =	sld [smem:$0x3F8B]  }
0x1a: {  	s8 =	sadd.s32 $0xFFFFE003, lr  }
0x1b: {  	s9 =	sadd.s32 $0xFFFFFEF7, lr;
	s5 =	simm.s32 $0xFFFFFFFF;
	p2 =	slt.u32 s8, $0xFFFFF086  }
0x1c: {  	p1 =	slt.u32 s9, $0xF7A;
	s5 =	simm.s32 @!p2 $0x0  }
0x1d: {  	s5 =	simm.s32 @p1 $0x1;
	p0 =	seq.s32 s7, s2  }
0x1e: {  	s7 =	smul.u32 @!p0 $0xF7A, s2;
	p2 =	seq.s32 @!p0 s5, $0x0  }
0x1f: {  	s9 =	smul.u32 $0xF7A, s1;
	s8 =	simm.s32 @!p0 $0x1BF5;
	p2 =	por !p2, p0  }
0x20: {  	[sflag:s8] =	ssyncset.s32 @!p0 $0xFFFFF086;
	s6 =	sadd.s32 @!p0 s3, s7;
	s7 =	simm.s32 @!p0 $0x108  }
0x21: {  	s3 =	sadd.s32 s3, s9;
	s6 =	sadd.s32 @!p0 $0x88, s6;
	s7 =	simm.s32 @p2 $0x1082  }
0x22: {  	[simem:s7], [sflag:s8] =	dma.local @!p0 [hbm:s6], $0xF7A  }
0x23: {  	s9 =	sor.u32 $0xD0000000, s2;
	s6 =	simm.s32 $0x108;
	_ =	swait.ge @!p0 [sflag:s8], $0x0  }
0x24: {  	s3 =	sadd.s32 $0x88, s3;
	s6 =	simm.s32 @!p1 $0x1082;
	[sflag:s4] =	ssyncset.s32 $0xFFFFF086  }
0x25: {  	[simem:s6], [sflag:s4] =	dma.local [hbm:s3], $0xF7A  }
0x26: {  	[smem:$0x3F8B] =	sst s1;
	(tag) =	ssettag s2;
	_ =	strace s9  }
0x27: {  	s1 =	sld [smem:$0x3F9B]  }
0x28: {  	s2 =	sld [smem:$0x3F9C]  }
0x29: {  	s4 =	sld [smem:$0x3F9E]  }
0x2a: {  	p0 =	seq.s32 s5, $0x0;
	s5 =	sld [smem:$0x3F9F]  }
0x2b: {  	s6 =	sld [smem:$0x3FA0]  }
0x2c: {  	s7 =	sld [smem:$0x3FA1]  }
0x2d: {  	s3 =	simm.s32 $0x108;
	s8 =	sld [smem:$0x3FA2]  }
0x2e: {  	s3 =	simm.s32 @!p0 $0x1082;
	s9 =	sld [smem:$0x3FA3]  }
0x2f: {  	lr =	sadd.s32 s0, s3;
	s0 =	sld [smem:$0x3F9A]  }
0x30: {  	s3 =	sld [smem:$0x3F9D]  }
0x31: {  	[smem:$0x3FA6] =	sst s10  }
0x32: {  	s10 =	sld [smem:$0x3FA4];
	_ =	sdelay $0x3  }
0x33: {  	p0 =	seq.s32 s10, $0x1;
	s10 =	sld [smem:$0x3FA6];
	_ =	sdelay $0x3  }
0x34: {  	[smem:$0x3FA6] =	sst s10  }
0x35: {  	s10 =	sld [smem:$0x3FA5];
	_ =	sdelay $0x3  }
0x36: {  	p1 =	seq.s32 s10, $0x1;
	s10 =	sld [smem:$0x3FA6];
	_ =	sdelay $0x3  }
0x37: {  	[smem:$0x3FA6] =	sst s10  }
0x38: {  	s10 =	sld [smem:$0x3FA7]  }
0x39: {  	_ = 	snop;
	(pc) =	sbr.ind lr, $3  }
0x3a: {  	_ = 	snop  }
0x3b: {  	_ = 	snop  }
0x3c: {  	p2 =	seq.s32 s10, $0x1;
	s10 =	sld [smem:$0x3FA6]  }
0x3d: {  	_ =	shalt  }
0x3e: {  	_ =	shalt  }
0x3f: {  	_ =	shalt  }
0x40: {  	_ =	shalt  }
0x41: {  	_ =	shalt  }
0x42: {  	_ =	shalt  }
0x43: {  	_ =	shalt  }
0x44: {  	_ =	shalt  }
0x45: {  	_ =	shalt  }
0x46: {  	_ =	shalt  }
0x47: {  	_ =	shalt  }
0x48: {  	_ =	shalt  }
0x49: {  	_ =	shalt  }
0x4a: {  	_ =	shalt  }
0x4b: {  	_ =	shalt  }
0x4c: {  	_ =	shalt  }
0x4d: {  	_ =	shalt  }
0x4e: {  	_ =	shalt  }
0x4f: {  	_ =	shalt  }
0x50: {  	_ =	shalt  }
0x51: {  	_ =	shalt  }
0x52: {  	_ =	shalt  }
0x53: {  	_ =	shalt  }
0x54: {  	_ =	shalt  }
0x55: {  	_ =	shalt  }
0x56: {  	_ =	shalt  }
0x57: {  	_ =	shalt  }
0x58: {  	_ =	shalt  }
0x59: {  	_ =	shalt  }
0x5a: {  	_ =	shalt  }
0x5b: {  	_ =	shalt  }
0x5c: {  	_ =	shalt  }
0x5d: {  	_ =	shalt  }
0x5e: {  	_ =	shalt  }
0x5f: {  	_ =	shalt  }
0x60: {  	_ =	shalt  }
0x61: {  	_ =	shalt  }
0x62: {  	_ =	shalt  }
0x63: {  	_ =	shalt  }
0x64: {  	_ =	shalt  }
0x65: {  	_ =	shalt  }
0x66: {  	_ =	shalt  }
0x67: {  	_ =	shalt  }
0x68: {  	_ =	shalt  }
0x69: {  	_ =	shalt  }
0x6a: {  	_ =	shalt  }
0x6b: {  	_ =	shalt  }
0x6c: {  	_ =	shalt  }
0x6d: {  	_ =	shalt  }
0x6e: {  	_ =	shalt  }
0x6f: {  	_ =	shalt  }
0x70: {  	_ =	shalt  }
0x71: {  	_ =	shalt  }
0x72: {  	_ =	shalt  }
0x73: {  	_ =	shalt  }
0x74: {  	_ =	shalt  }
0x75: {  	_ =	shalt  }
0x76: {  	_ =	shalt  }
0x77: {  	_ =	shalt  }
0x78: {  	_ =	shalt  }
0x79: {  	_ =	shalt  }
0x7a: {  	_ =	shalt  }
0x7b: {  	_ =	shalt  }
0x7c: {  	_ =	shalt  }
0x7d: {  	_ =	shalt  }
0x7e: {  	_ =	shalt  }
0x7f: {  	_ =	shalt  }
0x80: {  	_ =	shalt  }
0x81: {  	_ =	shalt  }
0x82: {  	_ =	shalt  }
0x83: {  	_ =	shalt  }
0x84: {  	_ =	shalt  }
0x85: {  	_ =	shalt  }
0x86: {  	_ =	shalt  }
0x87: {  	_ =	shalt  }
.Lfunc_end0:
.L_simem_size_0:
called_computation_lowered:
.L_overlay_start_0:
0x88: {  	s2 =	sld [smem:$0x3FD9]  }
0x89: {  	s3 =	sld [smem:$0x3FFE];
	_ =	sdelay $0x1  }
0x8a: {  	s1 =	srdreg.scid  }
0x8b: {  	s0 =	sand.u32 $0x1, s1  }
0x8c: {  	s17 =	sshll.u32 s0, $0xA;
	s2 =	sadd.s32 s3, s2  }
0x8d: {  	s2 =	sadd.s32 s2, s17  }
0x8e: {  	[smem:$0x3FB2] =	sst s2  }
0x8f: {  	_ = 	snop  }
0x90: {  	s2 =	sld [smem:$0x3FD0];
	(tm) =	ssettm $0x1  }
0x91: {  	s18 =	sld [smem:$0x3FFB];
	_ =	sdelay $0x3  }
0x92: {  	_ =	strace s18  }
0x93: {  	s3 =	sld [smem:$0x3FFC];
	_ =	sdelay $0x3  }
0x94: {  	_ =	strace s3  }
0x95: {  	s3 =	sld [smem:$0x3FFD];
	_ =	sdelay $0x3  }
0x96: {  	_ =	strace s3  }
0x97: {  	_ =	strace $0x8FFFFFFF  }
0x98: {  	s19 =	sld [smem:$0x3FDB];
	_ =	sdelay $0x1  }
0x99: {  	s4 =	simm.s32 $_scs_section_size  }
0x9a: {  	s5 =	simm.s32 $_size__tile_overlayer_lowered;
	s6 =	simm.s32 $_tile_overlayer_lowered  }
0x9b: {  	s22 =	simm.s32 $0x1BFF;
	s21 =	sshll.u32 s6, $0x1;
	s3 =	sadd.s32 s4, s19  }
0x9c: {  	s7 =	simm.s32 $0x0;
	s20 =	sshll.u32 s5, $0x1;
	s5 =	sadd.s32 s21, s3  }
0x9d: {  	[timem:s7], [sflag:s22] =	dma.local [hbm:s5], s20  }
0x9e: {  	_ =	swait.ge [sflag:s22], s20  }
0x9f: {  	s4 =	ssub.s32 $0x0, s20;
	[sflag:s22] =	ssyncset.done $0x0  }
0xa0: {  	[sflag:s22] =	ssyncadd.s32 s4;
	_ =	sdelay $0x1  }
0xa1: {  	s23 =	simm.s32 $0x1B8B  }
0xa2: {  	_ =	swait.ge [sflag:s23], $0x1  }
0xa3: {  	[sflag:s23] =	ssyncset.done $0x0  }
0xa4: {  	s25 =	simm.s32 $0x1B8E;
	s24 =	sld [smem:$0x3FFE];
	[sflag:s23] =	ssyncadd.s32 $0xFFFFFFFF  }
0xa5: {  	s26 =	simm.s32 $execute0_lowered;
	[smem:$0x3FD2] =	sst s25  }
0xa6: {  	s5 =	sshll.u32 s26, $0x1;
	_ =	strace $0x80000046;
	[dreg:$0x1] =	wrdreg $0xFFFFFFFF  }
0xa7: {  	s28 =	simm.s32 $_size_execute0_lowered;
	s3 =	sadd.s32 s3, s5;
	[dreg:$0x0] =	wrdreg $0x0  }
0xa8: {  	s5 =	sshll.u32 s28, $0x1;
	[dreg:$0x2] =	wrdreg s3  }
0xa9: {  	[dreg:$0x3] =	wrdreg s5  }
0xaa: {  	[dreg:$0x4] =	wrdreg $0xC0  }
0xab: {  	_ =	task [dreg:s7], $0x5FFFF  }
0xac: {  	[dreg:$0x1] =	wrdreg $0xFFFFFFFF  }
0xad: {  	[dreg:$0x0] =	wrdreg $0x60  }
0xae: {  	[dreg:$0x2] =	wrdreg s24  }
0xaf: {  	[dreg:$0x3] =	wrdreg s2  }
0xb0: {  	[dreg:$0x4] =	wrdreg $0x0  }
0xb1: {  	[dreg:$0x5] =	wrdreg $0x9  }
0xb2: {  	_ =	task.clear_ibuf [dreg:s7], $0x6FFFF;
	_ =	strace $0x90000046  }
0xb3: {  	s29 =	simm.s32 $0x9;
	_ =	strace $0x80000048  }
0xb4: {  	_ =	swait.ge [sflag:s29], $0x1  }
0xb5: {  	[sflag:s29] =	ssyncadd.s32 $0xFFFFFFFF  }
0xb6: {  	_ =	strace $0x90000048  }
0xb7: {  	_ =	sfence  }
0xb8: {  	s30 =	sld [smem:$0x0];
	_ =	sdelay $0x2  }
0xb9: {  	s31 =	sshll.u32 s1, $0xD;
	s1 =	sshrl.u32 s1, $0x2  }
0xba: {  	s3 =	sand.u32 $0x4000, s31;
	s1 =	sadd.s32 s1, s30  }
0xbb: {  	s0 =	sor.u32 s3, s0;
	s1 =	sshll.u32 s1, $0x11  }
0xbc: {  	s0 =	sor.u32 s1, s0  }
0xbd: {  	s0 =	sadd.s32 $0x8F2B, s0  }
0xbe: {  	[sflag:s0] =	ssyncadd.remote.s32 $0x1  }
0xbf: {  	_ =	sfence.sel $0xFFFF  }
0xc0: {  	[dreg:$0x0] =	wrdreg $0xFFFFFFFF;
	(pc) =	sbr.abs _section_cstart, $3  }
0xc1: {  	[dreg:$0x1] =	wrdreg $0xFFFFFFFF  }
0xc2: {  	_ =	task.clear_ibuf [dreg:s7], $0x2FFFF;
	_ =	strace $0x9FFFFFFF  }
0xc3: {  	(tm) =	ssettm $0x7FFFFFFF  }
tec
execute0_lowered:
.L_overlay_start_1:
0x0: {  	(tag) =	ssettag $0x1  }
0x1: {  	s6 =	rddreg [dreg:$0x0]  }
0x2: {  	s8 =	rddreg [dreg:$0x1]  }
0x3: {  	s0 =	srdreg.scid;
	s2 =	rddreg [dreg:$0x2]  }
0x4: {  	s1 =	rddreg [dreg:$0x3];
	s3 =	simm.s32 $0x0;
	s7 =	sand.u32 $0x1, s0  }
0x5: {  	s15 =	simm.s32 $0x0;
	s0 =	stileid.u32;
	s4 =	smul.u32 $0x24000, s7  }
0x6: {  	[smem:$0x7FF] =	sst s3;
	s13 =	sadd.s32 $0xE200, s6;
	s5 =	smul.u32 $0x2400, s0  }
0x7: {  	_ =	strace $0x80000047;
	s10 =	ssub.s32 $0x2, s7;
	s12 =	smul.u32 $0x280, s0  }
0x8: {  	p0 =	seq.s32 s7, $0x1;
	s31 =	sshll.u32 s0, $0x6;
	s11 =	sshrl.u32 s10, $0x1  }
0x9: {  	s8 =	smov.u32 @p0 s13;
	s4 =	sadd.s32 s5, s4;
	s5 =	sadd.s32 $0xDE00, s6  }
0xa: {  	s10 =	ssub.s32 s10, s11;
	s14 =	sadd.s32 s12, s2;
	s30 =	sshrl.u32 s12, $0x3  }
0xb: {  	s11 =	simm.s32 $0x280;
	s12 =	sor.u32 $0x1C01, s31;
	s4 =	sshrl.u32 s4, $0x3  }
0xc: {  	s7 =	smax.u32 s10, $0x1;
	s8 =	sadd.s32 s8, s30;
	s10 =	simm.s32 $0x1  }
0xd: {  	s13 =	sshrl.u32 s14, $0x3;
	s14 =	simm.s32 $0x50;
	s9 =	sadd.s32 s4, s6  }
0xe: {  	s4 =	sadd.s32 $0xE000, s6;
	s6 =	sadd.s32 $0x4E00, s9;
	s9 =	simm.s32 $0x2680  }
.LBB2_1:
0xf: {  	[tilespmem:s9], [sflag:$0x1] =	stream.linear.gather [hbm4b:s4+s3], $0x80, $0x38;
	[tilespmem:$0x2700] =	vst v63  }
0x10: {  	_ =	swait.ge [sflag:s10], $0x80  }
0x11: {  	[sflag:s10] =	ssyncset.done $0x0  }
0x12: {  	[sflag:s10] =	ssyncadd.s32 $0xFFFFFF80  }
0x13: {  	[tilespmem:s11], [sflag:$0x1] =	stream.linear.gather [hbm4b:s6+s3], $0x2080, $0x38;
	[tilespmem:$0x2700] =	vst v63  }
0x14: {  	_ =	swait.ge [sflag:s10], $0x2080  }
0x15: {  	[sflag:s10] =	ssyncset.done $0x0  }
0x16: {  	[sflag:s10] =	ssyncadd.s32 $0xFFFFDF80  }
0x17: {  	[spmem:s13], [sflag:s12] =	dma.local [hbm:s5], $0x50  }
0x18: {  	_ =	swait.ge [sflag:s10], $0x50  }
0x19: {  	[sflag:s10] =	ssyncset.done $0x0  }
0x1a: {  	[sflag:s10] =	ssyncadd.s32 $0xFFFFFFB0  }
0x1b: {  	s16 =	simm.s32 $0x280;
	[bflag:$0x0] =	sbarrier.arrive $0xFFFF  }
0x1c: {  	[spmem:s2] =	stream.indirect.scatter.add.f32 [tilespmem:s9], [sflag:$0x1], $0x1, s16, s14, $0xb8;
	[tilespmem:$0x2700] =	vst v63  }
0x1d: {  	s16 =	simm.s32 $0x200;
	_ =	swait.ge [sflag:s10], $0x50  }
.LBB2_2:
0x1e: {  	s17 =	sshra.s32 s16, $0x2;
	[sflag:s10] =	ssyncset.done $0x0;
	p0 =	sne.s32 s16, $0x8000  }
.Ltmp0:
0x1f: {  	s17 =	sadd.s32 $0x280, s17;
	[sflag:s10] =	ssyncadd.s32 $0xFFFFFFB0;
	(pc) =	sbr.rel @p0 .LBB2_2-.Ltmp0, $3  }
0x20: {  	[spmem:s2] =	stream.indirect.scatter.add.f32 [tilespmem:s9], [sflag:$0x1], $0x1, s17, s14, $0xb8;
	[tilespmem:$0x2700] =	vst v63  }
0x21: {  	s16 =	sadd.s32 $0x200, s16;
	_ =	sdelay $0x1  }
0x22: {  	_ =	swait.ge [sflag:s10], $0x50  }
0x23: {  	[sflag:s10] =	ssyncset.done $0x0;
	s15 =	sadd.s32 $0x1, s15  }
0x24: {  	[sflag:s10] =	ssyncadd.s32 $0xFFFFFFB0;
	p0 =	sne.s32 s15, s7  }
.Ltmp1:
0x25: {  	[bflag:$0x0] =	sbarrier.arrive $0xFFFF;
	(pc) =	sbr.rel @p0 .LBB2_1-.Ltmp1, $4  }
0x26: {  	[hbm:s8], [sflag:s12] =	dma.local [spmem:s13], $0x50  }
0x27: {  	_ =	swait.ge [sflag:s10], $0x50  }
0x28: {  	[sflag:s10] =	ssyncset.done $0x0  }
0x29: {  	[sflag:s10] =	ssyncadd.s32 $0xFFFFFFB0  }
0x2a: {  	_ =	sfence.sel $0x180000  }
0x2b: {  	[bflag:$0x0] =	sbarrier.arrive $0xFFFF  }
0x2c: {  	p0 =	sne.s32 s0, $0x0;
	_ =	strace $0x90000047  }
0x2d: {  	s0 =	sadd.s32 @!p0 $0x100000, s1;
	[bflag:$0x2] =	sbarrier.arrive $0xFFFF  }
0x2e: {  	[sflag:s0] =	ssyncadd.tile.s32 @!p0 $0x1;
	_ =	shalt  }
.Lfunc_end2:
_tile_overlayer_lowered:
.L_overlay_start_2:
0x2f: {  	(tag) =	ssettag $0x2  }
0x30: {  	s0 =	rddreg [dreg:$0x0];
	s2 =	stileid.u32  }
0x31: {  	s1 =	rddreg [dreg:$0x1];
	p0 =	sne.s32 s2, $0x0  }
0x32: {  	s3 =	rddreg [dreg:$0x2];
	[bflag:$0x3] =	sbarrier.arrive $0xFFFF;
	s2 =	simm.s32 @!p0 $0x1C01  }
0x33: {  	[timem:s3], [sflag:s2] =	dma.local @!p0 [hbm:s0], s1  }
0x34: {  	s0 =	simm.s32 @!p0 $0x1  }
0x35: {  	_ =	swait.ge @!p0 [sflag:s0], s1  }
0x36: {  	s1 =	ssub.s32 @!p0 $0x0, s1;
	[sflag:s0] =	ssyncset.done @!p0 $0x0  }
0x37: {  	[sflag:s0] =	ssyncadd.s32 @!p0 s1  }
0x38: {  	[bflag:$0x3] =	sbarrier.arrive $0xFFFF  }
0x39: {  	_ =	shalt  }

</sc_bundles>
